<compile_context>
chip_gen: v7x
topology: tpu7x:2x2x1
jax: 0.10.2.dev20260603
libtpu: 0.0.44.dev20260713+nightly
codegen_flags: <defaults>
</compile_context>

<pallas_src>
import functools

import jax
import jax.numpy as jnp
from jax import lax
from jax.experimental import pallas as pl
from jax.experimental.pallas import tpu as pltpu
from jax.experimental.pallas import tpu_sc as plsc

EMB = 32
BATCH = 16384
CHUNK = 128
LANES = 16


@functools.cache
def _build():
    info = plsc.get_sparse_core_info()
    nw = info.num_cores * info.num_subcores
    n = BATCH // nw
    nch = n // CHUNK

    mesh = plsc.VectorSubcoreMesh(core_axis_name="c", subcore_axis_name="s")

    @functools.partial(
        pl.kernel,
        mesh=mesh,
        out_type=jax.ShapeDtypeStruct((2 * BATCH, EMB), jnp.float32),
        compiler_params=pltpu.CompilerParams(use_tc_tiling_on_sc=False),
        scratch_types=[
            pltpu.VMEM((nch, CHUNK), jnp.int32),
            pltpu.VMEM((nch, CHUNK), jnp.int32),
            pltpu.VMEM((nch, CHUNK), jnp.int32),
            pltpu.VMEM((nch, CHUNK), jnp.int32),
            pltpu.VMEM((n, EMB), jnp.float32),
            pltpu.VMEM((n, EMB), jnp.float32),
            pltpu.SemaphoreType.DMA,
        ],
    )
    def k(idx_a_hbm, idx_b_hbm, wa_hbm, wb_hbm, out_hbm,
          ia_v, ib_v, oa_v, ob_v, ra_v, rb_v, sem):
        wid = lax.axis_index("s") * info.num_cores + lax.axis_index("c")
        base = wid * n
        cp_a = pltpu.async_copy(idx_a_hbm.at[pl.ds(wid * nch, nch)], ia_v, sem)
        cp_b = pltpu.async_copy(idx_b_hbm.at[pl.ds(wid * nch, nch)], ib_v, sem)
        iot2 = lax.iota(jnp.int32, LANES) * 2
        for j in range(nch):
            for v in range(CHUNK // LANES):
                s = 2 * (base + j * CHUNK + v * LANES)
                oa_v[j, pl.ds(v * LANES, LANES)] = iot2 + s
                ob_v[j, pl.ds(v * LANES, LANES)] = iot2 + (s + 1)
        cp_a.wait()
        cp_b.wait()
        gathers = []
        for j in range(nch):
            gathers.append(
                pltpu.async_copy(
                    wa_hbm.at[ia_v.at[j]],
                    ra_v.at[pl.ds(j * CHUNK, CHUNK)], sem)
            )
            gathers.append(
                pltpu.async_copy(
                    wb_hbm.at[ib_v.at[j]],
                    rb_v.at[pl.ds(j * CHUNK, CHUNK)], sem)
            )
        for c in gathers:
            c.wait()
        scatters = []
        for j in range(nch):
            scatters.append(
                pltpu.async_copy(ra_v.at[pl.ds(j * CHUNK, CHUNK)], out_hbm.at[oa_v.at[j]], sem)
            )
            scatters.append(
                pltpu.async_copy(rb_v.at[pl.ds(j * CHUNK, CHUNK)], out_hbm.at[ob_v.at[j]], sem)
            )
        for c in scatters:
            c.wait()

    return k


def kernel(field_a, field_b, W_a, W_b):
    k = _build()
    ia = field_a.reshape(BATCH // CHUNK, CHUNK)
    ib = field_b.reshape(BATCH // CHUNK, CHUNK)
    out2 = k(ia, ib, W_a, W_b)
    return out2.reshape(BATCH, 2 * EMB)

# --- scband reference (transcript-rebuilt; emitter-appended) ---
"""Pipeline reference for scband-embedding-attrs-5428838662424 (READ-ONLY COPY).

The authoritative reference and input builder live on the scoring server;
editing this copy changes nothing except your own understanding.
"""

import jax, jax.numpy as jnp
import numpy as np
import math

VOCAB_A = 1000000
VOCAB_B = 100000
EMB_DIM = 32
BATCH = 16384

def _xavier_uniform(key, shape):
    fan_in, fan_out = shape[0], shape[1]
    a = math.sqrt(6.0 / (fan_in + fan_out))
    return jax.random.uniform(key, shape, minval=-a, maxval=a, dtype=jnp.float32)

def setup_inputs(seed: int = 0) -> dict:
    key = jax.random.key(seed)
    k1, k2, k3, k4 = jax.random.split(key, 4)
    field_a = jax.random.randint(k1, (BATCH,), 0, VOCAB_A, dtype=jnp.int64 if jax.config.read('jax_enable_x64') else jnp.int32).astype(jnp.int32)
    field_b = jax.random.randint(k2, (BATCH,), 0, VOCAB_B, dtype=jnp.int32)
    scale = 0.3333 * math.isqrt(EMB_DIM)
    W_a = _xavier_uniform(k3, (VOCAB_A, EMB_DIM)) * scale
    W_b = _xavier_uniform(k4, (VOCAB_B, EMB_DIM)) * scale
    return {"field_a": field_a, "field_b": field_b, "W_a": W_a, "W_b": W_b}

def reference(field_a, field_b, W_a, W_b):
    # EmbeddingAttrs.forward with use_masking=False, no numerical attrs, no kano embeddings.
    # For each categorical attribute: squeeze(-1) (already 1-D here), embedding gather, then concat.
    emb_a = jnp.take(W_a, field_a, axis=0)
    emb_b = jnp.take(W_b, field_b, axis=0)
    out = jnp.concatenate([emb_a, emb_b], axis=-1).astype(jnp.float32)
    return out

if __name__ == "__main__":
    import jax
    _d = setup_inputs()
    print(jax.jit(kernel)(*tuple(_d.values())))

</pallas_src>

<mosaic_0001>
#map = affine_map<(d0, d1) -> (0, 0)>
module attributes {stable_mosaic.version = 14 : i64} {
  func.func @k(%arg0: i32, %arg1: i32, %arg2: memref<128x128xi32, #tpu.memory_space<hbm>>, %arg3: memref<128x128xi32, #tpu.memory_space<hbm>>, %arg4: memref<1000000x32xf32, #tpu.memory_space<hbm>>, %arg5: memref<100000x32xf32, #tpu.memory_space<hbm>>, %arg6: memref<32768x32xf32, #tpu.memory_space<hbm>>, %arg7: memref<4x128xi32, #tpu.memory_space<vmem>>, %arg8: memref<4x128xi32, #tpu.memory_space<vmem>>, %arg9: memref<4x128xi32, #tpu.memory_space<vmem>>, %arg10: memref<4x128xi32, #tpu.memory_space<vmem>>, %arg11: memref<512x32xf32, #tpu.memory_space<vmem>>, %arg12: memref<512x32xf32, #tpu.memory_space<vmem>>, %arg13: memref<!tpu.dma_semaphore, #tpu.memory_space<semaphore_mem>>) attributes {dimension_semantics = [#tpu.dimension_semantics<core_parallel>, #tpu.dimension_semantics<subcore_parallel>], iteration_bounds = array<i64: 2, 16>, scalar_prefetch = 0 : i64, scratch_operands = 7 : i64, tpu.core_type = #tpu.core_type<sc_vector_subcore>, window_params = [{transform_indices = #map}, {transform_indices = #map}, {transform_indices = #map}, {transform_indices = #map}, {transform_indices = #map}]} {
    %mul3A = arith.constant 2 : i32
    %mul3A_0 = arith.muli %arg1, %mul3A : i32
    %add3A = arith.addi %mul3A_0, %arg0 : i32
    %mul3A_1 = arith.constant 512 : i32
    %mul3A_2 = arith.muli %add3A, %mul3A_1 : i32
    %mul3A_3 = arith.constant 4 : i32
    %mul3A_4 = arith.muli %add3A, %mul3A_3 : i32
    %dma_start3A = arith.constant 0 : i32
    %dma_start3A_5 = tpu.memref_slice %arg2[%mul3A_4, %dma_start3A] : memref<128x128xi32, #tpu.memory_space<hbm>> -> memref<4x128xi32, #tpu.memory_space<hbm>>
    %dma_start3A_6 = arith.constant 0 : i32
    %dma_start3A_7 = tpu.memref_slice %arg2[%mul3A_4, %dma_start3A_6] : memref<128x128xi32, #tpu.memory_space<hbm>> -> memref<4x128xi32, #tpu.memory_space<hbm>>
    tpu.enqueue_dma source(%dma_start3A_7 : memref<4x128xi32, #tpu.memory_space<hbm>>) target(%arg7 : memref<4x128xi32, #tpu.memory_space<vmem>>) target_semaphore(%arg13 : memref<!tpu.dma_semaphore, #tpu.memory_space<semaphore_mem>>)
    %mul3A_8 = arith.constant 4 : i32
    %mul3A_9 = arith.muli %add3A, %mul3A_8 : i32
    %dma_start3A_10 = arith.constant 0 : i32
    %dma_start3A_11 = tpu.memref_slice %arg3[%mul3A_9, %dma_start3A_10] : memref<128x128xi32, #tpu.memory_space<hbm>> -> memref<4x128xi32, #tpu.memory_space<hbm>>
    %dma_start3A_12 = arith.constant 0 : i32
    %dma_start3A_13 = tpu.memref_slice %arg3[%mul3A_9, %dma_start3A_12] : memref<128x128xi32, #tpu.memory_space<hbm>> -> memref<4x128xi32, #tpu.memory_space<hbm>>
    tpu.enqueue_dma source(%dma_start3A_13 : memref<4x128xi32, #tpu.memory_space<hbm>>) target(%arg8 : memref<4x128xi32, #tpu.memory_space<vmem>>) target_semaphore(%arg13 : memref<!tpu.dma_semaphore, #tpu.memory_space<semaphore_mem>>)
    %iota3A = tpu.iota {dimensions = array<i32: 0>} : vector<16xi32>
    %mul3A_14 = arith.constant 2 : i32
    %mul3A_15 = vector.broadcast %mul3A_14 : i32 to vector<16xi32>
    %mul3A_16 = arith.muli %iota3A, %mul3A_15 : vector<16xi32>
    %add3A_17 = arith.constant 0 : i32
    %add3A_18 = arith.addi %mul3A_2, %add3A_17 : i32
    %add3A_19 = arith.constant 0 : i32
    %add3A_20 = arith.addi %add3A_18, %add3A_19 : i32
    %mul3A_21 = arith.constant 2 : i32
    %mul3A_22 = arith.muli %mul3A_21, %add3A_20 : i32
    %add3A_23 = vector.broadcast %mul3A_22 : i32 to vector<16xi32>
    %add3A_24 = arith.addi %mul3A_16, %add3A_23 : vector<16xi32>
    %swap3A = arith.constant 0 : i32
    %swap3A_25 = arith.index_cast %swap3A : i32 to index
    %swap3A_26 = arith.constant 0 : index
    %swap3A_27 = tpu.vector_load %arg9[%swap3A_25, %swap3A_26] {strides = array<i32>} : memref<4x128xi32, #tpu.memory_space<vmem>>, vector<1x16xi32>,
    %swap3A_28 = vector.shape_cast %swap3A_27 : vector<1x16xi32> to vector<16xi32>
    %swap3A_29 = vector.shape_cast %add3A_24 : vector<16xi32> to vector<1x16xi32>
    tpu.vector_store %arg9[%swap3A_25, %swap3A_26], %swap3A_29 {strides = array<i32>} : memref<4x128xi32, #tpu.memory_space<vmem>>, vector<1x16xi32>,
    %add3A_30 = arith.constant 1 : i32
    %add3A_31 = arith.addi %mul3A_22, %add3A_30 : i32
    %add3A_32 = vector.broadcast %add3A_31 : i32 to vector<16xi32>
    %add3A_33 = arith.addi %mul3A_16, %add3A_32 : vector<16xi32>
    %swap3A_34 = arith.constant 0 : i32
    %swap3A_35 = arith.index_cast %swap3A_34 : i32 to index
    %swap3A_36 = arith.constant 0 : index
    %swap3A_37 = tpu.vector_load %arg10[%swap3A_35, %swap3A_36] {strides = array<i32>} : memref<4x128xi32, #tpu.memory_space<vmem>>, vector<1x16xi32>,
    %swap3A_38 = vector.shape_cast %swap3A_37 : vector<1x16xi32> to vector<16xi32>
    %swap3A_39 = vector.shape_cast %add3A_33 : vector<16xi32> to vector<1x16xi32>
    tpu.vector_store %arg10[%swap3A_35, %swap3A_36], %swap3A_39 {strides = array<i32>} : memref<4x128xi32, #tpu.memory_space<vmem>>, vector<1x16xi32>,
    %add3A_40 = arith.constant 0 : i32
    %add3A_41 = arith.addi %mul3A_2, %add3A_40 : i32
    %add3A_42 = arith.constant 16 : i32
    %add3A_43 = arith.addi %add3A_41, %add3A_42 : i32
    %mul3A_44 = arith.constant 2 : i32
    %mul3A_45 = arith.muli %mul3A_44, %add3A_43 : i32
    %add3A_46 = vector.broadcast %mul3A_45 : i32 to vector<16xi32>
    %add3A_47 = arith.addi %mul3A_16, %add3A_46 : vector<16xi32>
    %swap3A_48 = arith.constant 0 : i32
    %swap3A_49 = arith.index_cast %swap3A_48 : i32 to index
    %swap3A_50 = arith.constant 16 : index
    %swap3A_51 = tpu.vector_load %arg9[%swap3A_49, %swap3A_50] {strides = array<i32>} : memref<4x128xi32, #tpu.memory_space<vmem>>, vector<1x16xi32>,
    %swap3A_52 = vector.shape_cast %swap3A_51 : vector<1x16xi32> to vector<16xi32>
    %swap3A_53 = vector.shape_cast %add3A_47 : vector<16xi32> to vector<1x16xi32>
    tpu.vector_store %arg9[%swap3A_49, %swap3A_50], %swap3A_53 {strides = array<i32>} : memref<4x128xi32, #tpu.memory_space<vmem>>, vector<1x16xi32>,
    %add3A_54 = arith.constant 1 : i32
    %add3A_55 = arith.addi %mul3A_45, %add3A_54 : i32
    %add3A_56 = vector.broadcast %add3A_55 : i32 to vector<16xi32>
    %add3A_57 = arith.addi %mul3A_16, %add3A_56 : vector<16xi32>
    %swap3A_58 = arith.constant 0 : i32
    %swap3A_59 = arith.index_cast %swap3A_58 : i32 to index
    %swap3A_60 = arith.constant 16 : index
    %swap3A_61 = tpu.vector_load %arg10[%swap3A_59, %swap3A_60] {strides = array<i32>} : memref<4x128xi32, #tpu.memory_space<vmem>>, vector<1x16xi32>,
    %swap3A_62 = vector.shape_cast %swap3A_61 : vector<1x16xi32> to vector<16xi32>
    %swap3A_63 = vector.shape_cast %add3A_57 : vector<16xi32> to vector<1x16xi32>
    tpu.vector_store %arg10[%swap3A_59, %swap3A_60], %swap3A_63 {strides = array<i32>} : memref<4x128xi32, #tpu.memory_space<vmem>>, vector<1x16xi32>,
    %add3A_64 = arith.constant 0 : i32
    %add3A_65 = arith.addi %mul3A_2, %add3A_64 : i32
    %add3A_66 = arith.constant 32 : i32
    %add3A_67 = arith.addi %add3A_65, %add3A_66 : i32
    %mul3A_68 = arith.constant 2 : i32
    %mul3A_69 = arith.muli %mul3A_68, %add3A_67 : i32
    %add3A_70 = vector.broadcast %mul3A_69 : i32 to vector<16xi32>
    %add3A_71 = arith.addi %mul3A_16, %add3A_70 : vector<16xi32>
    %swap3A_72 = arith.constant 0 : i32
    %swap3A_73 = arith.index_cast %swap3A_72 : i32 to index
    %swap3A_74 = arith.constant 32 : index
    %swap3A_75 = tpu.vector_load %arg9[%swap3A_73, %swap3A_74] {strides = array<i32>} : memref<4x128xi32, #tpu.memory_space<vmem>>, vector<1x16xi32>,
    %swap3A_76 = vector.shape_cast %swap3A_75 : vector<1x16xi32> to vector<16xi32>
    %swap3A_77 = vector.shape_cast %add3A_71 : vector<16xi32> to vector<1x16xi32>
    tpu.vector_store %arg9[%swap3A_73, %swap3A_74], %swap3A_77 {strides = array<i32>} : memref<4x128xi32, #tpu.memory_space<vmem>>, vector<1x16xi32>,
    %add3A_78 = arith.constant 1 : i32
    %add3A_79 = arith.addi %mul3A_69, %add3A_78 : i32
    %add3A_80 = vector.broadcast %add3A_79 : i32 to vector<16xi32>
    %add3A_81 = arith.addi %mul3A_16, %add3A_80 : vector<16xi32>
    %swap3A_82 = arith.constant 0 : i32
    %swap3A_83 = arith.index_cast %swap3A_82 : i32 to index
    %swap3A_84 = arith.constant 32 : index
    %swap3A_85 = tpu.vector_load %arg10[%swap3A_83, %swap3A_84] {strides = array<i32>} : memref<4x128xi32, #tpu.memory_space<vmem>>, vector<1x16xi32>,
    %swap3A_86 = vector.shape_cast %swap3A_85 : vector<1x16xi32> to vector<16xi32>
    %swap3A_87 = vector.shape_cast %add3A_81 : vector<16xi32> to vector<1x16xi32>
    tpu.vector_store %arg10[%swap3A_83, %swap3A_84], %swap3A_87 {strides = array<i32>} : memref<4x128xi32, #tpu.memory_space<vmem>>, vector<1x16xi32>,
    %add3A_88 = arith.constant 0 : i32
    %add3A_89 = arith.addi %mul3A_2, %add3A_88 : i32
    %add3A_90 = arith.constant 48 : i32
    %add3A_91 = arith.addi %add3A_89, %add3A_90 : i32
    %mul3A_92 = arith.constant 2 : i32
    %mul3A_93 = arith.muli %mul3A_92, %add3A_91 : i32
    %add3A_94 = vector.broadcast %mul3A_93 : i32 to vector<16xi32>
    %add3A_95 = arith.addi %mul3A_16, %add3A_94 : vector<16xi32>
    %swap3A_96 = arith.constant 0 : i32
    %swap3A_97 = arith.index_cast %swap3A_96 : i32 to index
    %swap3A_98 = arith.constant 48 : index
    %swap3A_99 = tpu.vector_load %arg9[%swap3A_97, %swap3A_98] {strides = array<i32>} : memref<4x128xi32, #tpu.memory_space<vmem>>, vector<1x16xi32>,
    %swap3A_100 = vector.shape_cast %swap3A_99 : vector<1x16xi32> to vector<16xi32>
    %swap3A_101 = vector.shape_cast %add3A_95 : vector<16xi32> to vector<1x16xi32>
    tpu.vector_store %arg9[%swap3A_97, %swap3A_98], %swap3A_101 {strides = array<i32>} : memref<4x128xi32, #tpu.memory_space<vmem>>, vector<1x16xi32>,
    %add3A_102 = arith.constant 1 : i32
    %add3A_103 = arith.addi %mul3A_93, %add3A_102 : i32
    %add3A_104 = vector.broadcast %add3A_103 : i32 to vector<16xi32>
    %add3A_105 = arith.addi %mul3A_16, %add3A_104 : vector<16xi32>
    %swap3A_106 = arith.constant 0 : i32
    %swap3A_107 = arith.index_cast %swap3A_106 : i32 to index
    %swap3A_108 = arith.constant 48 : index
    %swap3A_109 = tpu.vector_load %arg10[%swap3A_107, %swap3A_108] {strides = array<i32>} : memref<4x128xi32, #tpu.memory_space<vmem>>, vector<1x16xi32>,
    %swap3A_110 = vector.shape_cast %swap3A_109 : vector<1x16xi32> to vector<16xi32>
    %swap3A_111 = vector.shape_cast %add3A_105 : vector<16xi32> to vector<1x16xi32>
    tpu.vector_store %arg10[%swap3A_107, %swap3A_108], %swap3A_111 {strides = array<i32>} : memref<4x128xi32, #tpu.memory_space<vmem>>, vector<1x16xi32>,
    %add3A_112 = arith.constant 0 : i32
    %add3A_113 = arith.addi %mul3A_2, %add3A_112 : i32
    %add3A_114 = arith.constant 64 : i32
    %add3A_115 = arith.addi %add3A_113, %add3A_114 : i32
    %mul3A_116 = arith.constant 2 : i32
    %mul3A_117 = arith.muli %mul3A_116, %add3A_115 : i32
    %add3A_118 = vector.broadcast %mul3A_117 : i32 to vector<16xi32>
    %add3A_119 = arith.addi %mul3A_16, %add3A_118 : vector<16xi32>
    %swap3A_120 = arith.constant 0 : i32
    %swap3A_121 = arith.index_cast %swap3A_120 : i32 to index
    %swap3A_122 = arith.constant 64 : index
    %swap3A_123 = tpu.vector_load %arg9[%swap3A_121, %swap3A_122] {strides = array<i32>} : memref<4x128xi32, #tpu.memory_space<vmem>>, vector<1x16xi32>,
    %swap3A_124 = vector.shape_cast %swap3A_123 : vector<1x16xi32> to vector<16xi32>
    %swap3A_125 = vector.shape_cast %add3A_119 : vector<16xi32> to vector<1x16xi32>
    tpu.vector_store %arg9[%swap3A_121, %swap3A_122], %swap3A_125 {strides = array<i32>} : memref<4x128xi32, #tpu.memory_space<vmem>>, vector<1x16xi32>,
    %add3A_126 = arith.constant 1 : i32
    %add3A_127 = arith.addi %mul3A_117, %add3A_126 : i32
    %add3A_128 = vector.broadcast %add3A_127 : i32 to vector<16xi32>
    %add3A_129 = arith.addi %mul3A_16, %add3A_128 : vector<16xi32>
    %swap3A_130 = arith.constant 0 : i32
    %swap3A_131 = arith.index_cast %swap3A_130 : i32 to index
    %swap3A_132 = arith.constant 64 : index
    %swap3A_133 = tpu.vector_load %arg10[%swap3A_131, %swap3A_132] {strides = array<i32>} : memref<4x128xi32, #tpu.memory_space<vmem>>, vector<1x16xi32>,
    %swap3A_134 = vector.shape_cast %swap3A_133 : vector<1x16xi32> to vector<16xi32>
    %swap3A_135 = vector.shape_cast %add3A_129 : vector<16xi32> to vector<1x16xi32>
    tpu.vector_store %arg10[%swap3A_131, %swap3A_132], %swap3A_135 {strides = array<i32>} : memref<4x128xi32, #tpu.memory_space<vmem>>, vector<1x16xi32>,
    %add3A_136 = arith.constant 0 : i32
    %add3A_137 = arith.addi %mul3A_2, %add3A_136 : i32
    %add3A_138 = arith.constant 80 : i32
    %add3A_139 = arith.addi %add3A_137, %add3A_138 : i32
    %mul3A_140 = arith.constant 2 : i32
    %mul3A_141 = arith.muli %mul3A_140, %add3A_139 : i32
    %add3A_142 = vector.broadcast %mul3A_141 : i32 to vector<16xi32>
    %add3A_143 = arith.addi %mul3A_16, %add3A_142 : vector<16xi32>
    %swap3A_144 = arith.constant 0 : i32
    %swap3A_145 = arith.index_cast %swap3A_144 : i32 to index
    %swap3A_146 = arith.constant 80 : index
    %swap3A_147 = tpu.vector_load %arg9[%swap3A_145, %swap3A_146] {strides = array<i32>} : memref<4x128xi32, #tpu.memory_space<vmem>>, vector<1x16xi32>,
    %swap3A_148 = vector.shape_cast %swap3A_147 : vector<1x16xi32> to vector<16xi32>
    %swap3A_149 = vector.shape_cast %add3A_143 : vector<16xi32> to vector<1x16xi32>
    tpu.vector_store %arg9[%swap3A_145, %swap3A_146], %swap3A_149 {strides = array<i32>} : memref<4x128xi32, #tpu.memory_space<vmem>>, vector<1x16xi32>,
    %add3A_150 = arith.constant 1 : i32
    %add3A_151 = arith.addi %mul3A_141, %add3A_150 : i32
    %add3A_152 = vector.broadcast %add3A_151 : i32 to vector<16xi32>
    %add3A_153 = arith.addi %mul3A_16, %add3A_152 : vector<16xi32>
    %swap3A_154 = arith.constant 0 : i32
    %swap3A_155 = arith.index_cast %swap3A_154 : i32 to index
    %swap3A_156 = arith.constant 80 : index
    %swap3A_157 = tpu.vector_load %arg10[%swap3A_155, %swap3A_156] {strides = array<i32>} : memref<4x128xi32, #tpu.memory_space<vmem>>, vector<1x16xi32>,
    %swap3A_158 = vector.shape_cast %swap3A_157 : vector<1x16xi32> to vector<16xi32>
    %swap3A_159 = vector.shape_cast %add3A_153 : vector<16xi32> to vector<1x16xi32>
    tpu.vector_store %arg10[%swap3A_155, %swap3A_156], %swap3A_159 {strides = array<i32>} : memref<4x128xi32, #tpu.memory_space<vmem>>, vector<1x16xi32>,
    %add3A_160 = arith.constant 0 : i32
    %add3A_161 = arith.addi %mul3A_2, %add3A_160 : i32
    %add3A_162 = arith.constant 96 : i32
    %add3A_163 = arith.addi %add3A_161, %add3A_162 : i32
    %mul3A_164 = arith.constant 2 : i32
    %mul3A_165 = arith.muli %mul3A_164, %add3A_163 : i32
    %add3A_166 = vector.broadcast %mul3A_165 : i32 to vector<16xi32>
    %add3A_167 = arith.addi %mul3A_16, %add3A_166 : vector<16xi32>
    %swap3A_168 = arith.constant 0 : i32
    %swap3A_169 = arith.index_cast %swap3A_168 : i32 to index
    %swap3A_170 = arith.constant 96 : index
    %swap3A_171 = tpu.vector_load %arg9[%swap3A_169, %swap3A_170] {strides = array<i32>} : memref<4x128xi32, #tpu.memory_space<vmem>>, vector<1x16xi32>,
    %swap3A_172 = vector.shape_cast %swap3A_171 : vector<1x16xi32> to vector<16xi32>
    %swap3A_173 = vector.shape_cast %add3A_167 : vector<16xi32> to vector<1x16xi32>
    tpu.vector_store %arg9[%swap3A_169, %swap3A_170], %swap3A_173 {strides = array<i32>} : memref<4x128xi32, #tpu.memory_space<vmem>>, vector<1x16xi32>,
    %add3A_174 = arith.constant 1 : i32
    %add3A_175 = arith.addi %mul3A_165, %add3A_174 : i32
    %add3A_176 = vector.broadcast %add3A_175 : i32 to vector<16xi32>
    %add3A_177 = arith.addi %mul3A_16, %add3A_176 : vector<16xi32>
    %swap3A_178 = arith.constant 0 : i32
    %swap3A_179 = arith.index_cast %swap3A_178 : i32 to index
    %swap3A_180 = arith.constant 96 : index
    %swap3A_181 = tpu.vector_load %arg10[%swap3A_179, %swap3A_180] {strides = array<i32>} : memref<4x128xi32, #tpu.memory_space<vmem>>, vector<1x16xi32>,
    %swap3A_182 = vector.shape_cast %swap3A_181 : vector<1x16xi32> to vector<16xi32>
    %swap3A_183 = vector.shape_cast %add3A_177 : vector<16xi32> to vector<1x16xi32>
    tpu.vector_store %arg10[%swap3A_179, %swap3A_180], %swap3A_183 {strides = array<i32>} : memref<4x128xi32, #tpu.memory_space<vmem>>, vector<1x16xi32>,
    %add3A_184 = arith.constant 0 : i32
    %add3A_185 = arith.addi %mul3A_2, %add3A_184 : i32
    %add3A_186 = arith.constant 112 : i32
    %add3A_187 = arith.addi %add3A_185, %add3A_186 : i32
    %mul3A_188 = arith.constant 2 : i32
    %mul3A_189 = arith.muli %mul3A_188, %add3A_187 : i32
    %add3A_190 = vector.broadcast %mul3A_189 : i32 to vector<16xi32>
    %add3A_191 = arith.addi %mul3A_16, %add3A_190 : vector<16xi32>
    %swap3A_192 = arith.constant 0 : i32
    %swap3A_193 = arith.index_cast %swap3A_192 : i32 to index
    %swap3A_194 = arith.constant 112 : index
    %swap3A_195 = tpu.vector_load %arg9[%swap3A_193, %swap3A_194] {strides = array<i32>} : memref<4x128xi32, #tpu.memory_space<vmem>>, vector<1x16xi32>,
    %swap3A_196 = vector.shape_cast %swap3A_195 : vector<1x16xi32> to vector<16xi32>
    %swap3A_197 = vector.shape_cast %add3A_191 : vector<16xi32> to vector<1x16xi32>
    tpu.vector_store %arg9[%swap3A_193, %swap3A_194], %swap3A_197 {strides = array<i32>} : memref<4x128xi32, #tpu.memory_space<vmem>>, vector<1x16xi32>,
    %add3A_198 = arith.constant 1 : i32
    %add3A_199 = arith.addi %mul3A_189, %add3A_198 : i32
    %add3A_200 = vector.broadcast %add3A_199 : i32 to vector<16xi32>
    %add3A_201 = arith.addi %mul3A_16, %add3A_200 : vector<16xi32>
    %swap3A_202 = arith.constant 0 : i32
    %swap3A_203 = arith.index_cast %swap3A_202 : i32 to index
    %swap3A_204 = arith.constant 112 : index
    %swap3A_205 = tpu.vector_load %arg10[%swap3A_203, %swap3A_204] {strides = array<i32>} : memref<4x128xi32, #tpu.memory_space<vmem>>, vector<1x16xi32>,
    %swap3A_206 = vector.shape_cast %swap3A_205 : vector<1x16xi32> to vector<16xi32>
    %swap3A_207 = vector.shape_cast %add3A_201 : vector<16xi32> to vector<1x16xi32>
    tpu.vector_store %arg10[%swap3A_203, %swap3A_204], %swap3A_207 {strides = array<i32>} : memref<4x128xi32, #tpu.memory_space<vmem>>, vector<1x16xi32>,
    %add3A_208 = arith.constant 128 : i32
    %add3A_209 = arith.addi %mul3A_2, %add3A_208 : i32
    %add3A_210 = arith.constant 0 : i32
    %add3A_211 = arith.addi %add3A_209, %add3A_210 : i32
    %mul3A_212 = arith.constant 2 : i32
    %mul3A_213 = arith.muli %mul3A_212, %add3A_211 : i32
    %add3A_214 = vector.broadcast %mul3A_213 : i32 to vector<16xi32>
    %add3A_215 = arith.addi %mul3A_16, %add3A_214 : vector<16xi32>
    %swap3A_216 = arith.constant 1 : i32
    %swap3A_217 = arith.index_cast %swap3A_216 : i32 to index
    %swap3A_218 = arith.constant 0 : index
    %swap3A_219 = tpu.vector_load %arg9[%swap3A_217, %swap3A_218] {strides = array<i32>} : memref<4x128xi32, #tpu.memory_space<vmem>>, vector<1x16xi32>,
    %swap3A_220 = vector.shape_cast %swap3A_219 : vector<1x16xi32> to vector<16xi32>
    %swap3A_221 = vector.shape_cast %add3A_215 : vector<16xi32> to vector<1x16xi32>
    tpu.vector_store %arg9[%swap3A_217, %swap3A_218], %swap3A_221 {strides = array<i32>} : memref<4x128xi32, #tpu.memory_space<vmem>>, vector<1x16xi32>,
    %add3A_222 = arith.constant 1 : i32
    %add3A_223 = arith.addi %mul3A_213, %add3A_222 : i32
    %add3A_224 = vector.broadcast %add3A_223 : i32 to vector<16xi32>
    %add3A_225 = arith.addi %mul3A_16, %add3A_224 : vector<16xi32>
    %swap3A_226 = arith.constant 1 : i32
    %swap3A_227 = arith.index_cast %swap3A_226 : i32 to index
    %swap3A_228 = arith.constant 0 : index
    %swap3A_229 = tpu.vector_load %arg10[%swap3A_227, %swap3A_228] {strides = array<i32>} : memref<4x128xi32, #tpu.memory_space<vmem>>, vector<1x16xi32>,
    %swap3A_230 = vector.shape_cast %swap3A_229 : vector<1x16xi32> to vector<16xi32>
    %swap3A_231 = vector.shape_cast %add3A_225 : vector<16xi32> to vector<1x16xi32>
    tpu.vector_store %arg10[%swap3A_227, %swap3A_228], %swap3A_231 {strides = array<i32>} : memref<4x128xi32, #tpu.memory_space<vmem>>, vector<1x16xi32>,
    %add3A_232 = arith.constant 128 : i32
    %add3A_233 = arith.addi %mul3A_2, %add3A_232 : i32
    %add3A_234 = arith.constant 16 : i32
    %add3A_235 = arith.addi %add3A_233, %add3A_234 : i32
    %mul3A_236 = arith.constant 2 : i32
    %mul3A_237 = arith.muli %mul3A_236, %add3A_235 : i32
    %add3A_238 = vector.broadcast %mul3A_237 : i32 to vector<16xi32>
    %add3A_239 = arith.addi %mul3A_16, %add3A_238 : vector<16xi32>
    %swap3A_240 = arith.constant 1 : i32
    %swap3A_241 = arith.index_cast %swap3A_240 : i32 to index
    %swap3A_242 = arith.constant 16 : index
    %swap3A_243 = tpu.vector_load %arg9[%swap3A_241, %swap3A_242] {strides = array<i32>} : memref<4x128xi32, #tpu.memory_space<vmem>>, vector<1x16xi32>,
    %swap3A_244 = vector.shape_cast %swap3A_243 : vector<1x16xi32> to vector<16xi32>
    %swap3A_245 = vector.shape_cast %add3A_239 : vector<16xi32> to vector<1x16xi32>
    tpu.vector_store %arg9[%swap3A_241, %swap3A_242], %swap3A_245 {strides = array<i32>} : memref<4x128xi32, #tpu.memory_space<vmem>>, vector<1x16xi32>,
    %add3A_246 = arith.constant 1 : i32
    %add3A_247 = arith.addi %mul3A_237, %add3A_246 : i32
    %add3A_248 = vector.broadcast %add3A_247 : i32 to vector<16xi32>
    %add3A_249 = arith.addi %mul3A_16, %add3A_248 : vector<16xi32>
    %swap3A_250 = arith.constant 1 : i32
    %swap3A_251 = arith.index_cast %swap3A_250 : i32 to index
    %swap3A_252 = arith.constant 16 : index
    %swap3A_253 = tpu.vector_load %arg10[%swap3A_251, %swap3A_252] {strides = array<i32>} : memref<4x128xi32, #tpu.memory_space<vmem>>, vector<1x16xi32>,
    %swap3A_254 = vector.shape_cast %swap3A_253 : vector<1x16xi32> to vector<16xi32>
    %swap3A_255 = vector.shape_cast %add3A_249 : vector<16xi32> to vector<1x16xi32>
    tpu.vector_store %arg10[%swap3A_251, %swap3A_252], %swap3A_255 {strides = array<i32>} : memref<4x128xi32, #tpu.memory_space<vmem>>, vector<1x16xi32>,
    %add3A_256 = arith.constant 128 : i32
    %add3A_257 = arith.addi %mul3A_2, %add3A_256 : i32
    %add3A_258 = arith.constant 32 : i32
    %add3A_259 = arith.addi %add3A_257, %add3A_258 : i32
    %mul3A_260 = arith.constant 2 : i32
    %mul3A_261 = arith.muli %mul3A_260, %add3A_259 : i32
    %add3A_262 = vector.broadcast %mul3A_261 : i32 to vector<16xi32>
    %add3A_263 = arith.addi %mul3A_16, %add3A_262 : vector<16xi32>
    %swap3A_264 = arith.constant 1 : i32
    %swap3A_265 = arith.index_cast %swap3A_264 : i32 to index
    %swap3A_266 = arith.constant 32 : index
    %swap3A_267 = tpu.vector_load %arg9[%swap3A_265, %swap3A_266] {strides = array<i32>} : memref<4x128xi32, #tpu.memory_space<vmem>>, vector<1x16xi32>,
    %swap3A_268 = vector.shape_cast %swap3A_267 : vector<1x16xi32> to vector<16xi32>
    %swap3A_269 = vector.shape_cast %add3A_263 : vector<16xi32> to vector<1x16xi32>
    tpu.vector_store %arg9[%swap3A_265, %swap3A_266], %swap3A_269 {strides = array<i32>} : memref<4x128xi32, #tpu.memory_space<vmem>>, vector<1x16xi32>,
    %add3A_270 = arith.constant 1 : i32
    %add3A_271 = arith.addi %mul3A_261, %add3A_270 : i32
    %add3A_272 = vector.broadcast %add3A_271 : i32 to vector<16xi32>
    %add3A_273 = arith.addi %mul3A_16, %add3A_272 : vector<16xi32>
    %swap3A_274 = arith.constant 1 : i32
    %swap3A_275 = arith.index_cast %swap3A_274 : i32 to index
    %swap3A_276 = arith.constant 32 : index
    %swap3A_277 = tpu.vector_load %arg10[%swap3A_275, %swap3A_276] {strides = array<i32>} : memref<4x128xi32, #tpu.memory_space<vmem>>, vector<1x16xi32>,
    %swap3A_278 = vector.shape_cast %swap3A_277 : vector<1x16xi32> to vector<16xi32>
    %swap3A_279 = vector.shape_cast %add3A_273 : vector<16xi32> to vector<1x16xi32>
    tpu.vector_store %arg10[%swap3A_275, %swap3A_276], %swap3A_279 {strides = array<i32>} : memref<4x128xi32, #tpu.memory_space<vmem>>, vector<1x16xi32>,
    %add3A_280 = arith.constant 128 : i32
    %add3A_281 = arith.addi %mul3A_2, %add3A_280 : i32
    %add3A_282 = arith.constant 48 : i32
    %add3A_283 = arith.addi %add3A_281, %add3A_282 : i32
    %mul3A_284 = arith.constant 2 : i32
    %mul3A_285 = arith.muli %mul3A_284, %add3A_283 : i32
    %add3A_286 = vector.broadcast %mul3A_285 : i32 to vector<16xi32>
    %add3A_287 = arith.addi %mul3A_16, %add3A_286 : vector<16xi32>
    %swap3A_288 = arith.constant 1 : i32
    %swap3A_289 = arith.index_cast %swap3A_288 : i32 to index
    %swap3A_290 = arith.constant 48 : index
    %swap3A_291 = tpu.vector_load %arg9[%swap3A_289, %swap3A_290] {strides = array<i32>} : memref<4x128xi32, #tpu.memory_space<vmem>>, vector<1x16xi32>,
    %swap3A_292 = vector.shape_cast %swap3A_291 : vector<1x16xi32> to vector<16xi32>
    %swap3A_293 = vector.shape_cast %add3A_287 : vector<16xi32> to vector<1x16xi32>
    tpu.vector_store %arg9[%swap3A_289, %swap3A_290], %swap3A_293 {strides = array<i32>} : memref<4x128xi32, #tpu.memory_space<vmem>>, vector<1x16xi32>,
    %add3A_294 = arith.constant 1 : i32
    %add3A_295 = arith.addi %mul3A_285, %add3A_294 : i32
    %add3A_296 = vector.broadcast %add3A_295 : i32 to vector<16xi32>
    %add3A_297 = arith.addi %mul3A_16, %add3A_296 : vector<16xi32>
    %swap3A_298 = arith.constant 1 : i32
    %swap3A_299 = arith.index_cast %swap3A_298 : i32 to index
    %swap3A_300 = arith.constant 48 : index
    %swap3A_301 = tpu.vector_load %arg10[%swap3A_299, %swap3A_300] {strides = array<i32>} : memref<4x128xi32, #tpu.memory_space<vmem>>, vector<1x16xi32>,
    %swap3A_302 = vector.shape_cast %swap3A_301 : vector<1x16xi32> to vector<16xi32>
    %swap3A_303 = vector.shape_cast %add3A_297 : vector<16xi32> to vector<1x16xi32>
    tpu.vector_store %arg10[%swap3A_299, %swap3A_300], %swap3A_303 {strides = array<i32>} : memref<4x128xi32, #tpu.memory_space<vmem>>, vector<1x16xi32>,
    %add3A_304 = arith.constant 128 : i32
    %add3A_305 = arith.addi %mul3A_2, %add3A_304 : i32
    %add3A_306 = arith.constant 64 : i32
    %add3A_307 = arith.addi %add3A_305, %add3A_306 : i32
    %mul3A_308 = arith.constant 2 : i32
    %mul3A_309 = arith.muli %mul3A_308, %add3A_307 : i32
    %add3A_310 = vector.broadcast %mul3A_309 : i32 to vector<16xi32>
    %add3A_311 = arith.addi %mul3A_16, %add3A_310 : vector<16xi32>
    %swap3A_312 = arith.constant 1 : i32
    %swap3A_313 = arith.index_cast %swap3A_312 : i32 to index
    %swap3A_314 = arith.constant 64 : index
    %swap3A_315 = tpu.vector_load %arg9[%swap3A_313, %swap3A_314] {strides = array<i32>} : memref<4x128xi32, #tpu.memory_space<vmem>>, vector<1x16xi32>,
    %swap3A_316 = vector.shape_cast %swap3A_315 : vector<1x16xi32> to vector<16xi32>
    %swap3A_317 = vector.shape_cast %add3A_311 : vector<16xi32> to vector<1x16xi32>
    tpu.vector_store %arg9[%swap3A_313, %swap3A_314], %swap3A_317 {strides = array<i32>} : memref<4x128xi32, #tpu.memory_space<vmem>>, vector<1x16xi32>,
    %add3A_318 = arith.constant 1 : i32
    %add3A_319 = arith.addi %mul3A_309, %add3A_318 : i32
    %add3A_320 = vector.broadcast %add3A_319 : i32 to vector<16xi32>
    %add3A_321 = arith.addi %mul3A_16, %add3A_320 : vector<16xi32>
    %swap3A_322 = arith.constant 1 : i32
    %swap3A_323 = arith.index_cast %swap3A_322 : i32 to index
    %swap3A_324 = arith.constant 64 : index
    %swap3A_325 = tpu.vector_load %arg10[%swap3A_323, %swap3A_324] {strides = array<i32>} : memref<4x128xi32, #tpu.memory_space<vmem>>, vector<1x16xi32>,
    %swap3A_326 = vector.shape_cast %swap3A_325 : vector<1x16xi32> to vector<16xi32>
    %swap3A_327 = vector.shape_cast %add3A_321 : vector<16xi32> to vector<1x16xi32>
    tpu.vector_store %arg10[%swap3A_323, %swap3A_324], %swap3A_327 {strides = array<i32>} : memref<4x128xi32, #tpu.memory_space<vmem>>, vector<1x16xi32>,
    %add3A_328 = arith.constant 128 : i32
    %add3A_329 = arith.addi %mul3A_2, %add3A_328 : i32
    %add3A_330 = arith.constant 80 : i32
    %add3A_331 = arith.addi %add3A_329, %add3A_330 : i32
    %mul3A_332 = arith.constant 2 : i32
    %mul3A_333 = arith.muli %mul3A_332, %add3A_331 : i32
    %add3A_334 = vector.broadcast %mul3A_333 : i32 to vector<16xi32>
    %add3A_335 = arith.addi %mul3A_16, %add3A_334 : vector<16xi32>
    %swap3A_336 = arith.constant 1 : i32
    %swap3A_337 = arith.index_cast %swap3A_336 : i32 to index
    %swap3A_338 = arith.constant 80 : index
    %swap3A_339 = tpu.vector_load %arg9[%swap3A_337, %swap3A_338] {strides = array<i32>} : memref<4x128xi32, #tpu.memory_space<vmem>>, vector<1x16xi32>,
    %swap3A_340 = vector.shape_cast %swap3A_339 : vector<1x16xi32> to vector<16xi32>
    %swap3A_341 = vector.shape_cast %add3A_335 : vector<16xi32> to vector<1x16xi32>
    tpu.vector_store %arg9[%swap3A_337, %swap3A_338], %swap3A_341 {strides = array<i32>} : memref<4x128xi32, #tpu.memory_space<vmem>>, vector<1x16xi32>,
    %add3A_342 = arith.constant 1 : i32
    %add3A_343 = arith.addi %mul3A_333, %add3A_342 : i32
    %add3A_344 = vector.broadcast %add3A_343 : i32 to vector<16xi32>
    %add3A_345 = arith.addi %mul3A_16, %add3A_344 : vector<16xi32>
    %swap3A_346 = arith.constant 1 : i32
    %swap3A_347 = arith.index_cast %swap3A_346 : i32 to index
    %swap3A_348 = arith.constant 80 : index
    %swap3A_349 = tpu.vector_load %arg10[%swap3A_347, %swap3A_348] {strides = array<i32>} : memref<4x128xi32, #tpu.memory_space<vmem>>, vector<1x16xi32>,
    %swap3A_350 = vector.shape_cast %swap3A_349 : vector<1x16xi32> to vector<16xi32>
    %swap3A_351 = vector.shape_cast %add3A_345 : vector<16xi32> to vector<1x16xi32>
    tpu.vector_store %arg10[%swap3A_347, %swap3A_348], %swap3A_351 {strides = array<i32>} : memref<4x128xi32, #tpu.memory_space<vmem>>, vector<1x16xi32>,
    %add3A_352 = arith.constant 128 : i32
    %add3A_353 = arith.addi %mul3A_2, %add3A_352 : i32
    %add3A_354 = arith.constant 96 : i32
    %add3A_355 = arith.addi %add3A_353, %add3A_354 : i32
    %mul3A_356 = arith.constant 2 : i32
    %mul3A_357 = arith.muli %mul3A_356, %add3A_355 : i32
    %add3A_358 = vector.broadcast %mul3A_357 : i32 to vector<16xi32>
    %add3A_359 = arith.addi %mul3A_16, %add3A_358 : vector<16xi32>
    %swap3A_360 = arith.constant 1 : i32
    %swap3A_361 = arith.index_cast %swap3A_360 : i32 to index
    %swap3A_362 = arith.constant 96 : index
    %swap3A_363 = tpu.vector_load %arg9[%swap3A_361, %swap3A_362] {strides = array<i32>} : memref<4x128xi32, #tpu.memory_space<vmem>>, vector<1x16xi32>,
    %swap3A_364 = vector.shape_cast %swap3A_363 : vector<1x16xi32> to vector<16xi32>
    %swap3A_365 = vector.shape_cast %add3A_359 : vector<16xi32> to vector<1x16xi32>
    tpu.vector_store %arg9[%swap3A_361, %swap3A_362], %swap3A_365 {strides = array<i32>} : memref<4x128xi32, #tpu.memory_space<vmem>>, vector<1x16xi32>,
    %add3A_366 = arith.constant 1 : i32
    %add3A_367 = arith.addi %mul3A_357, %add3A_366 : i32
    %add3A_368 = vector.broadcast %add3A_367 : i32 to vector<16xi32>
    %add3A_369 = arith.addi %mul3A_16, %add3A_368 : vector<16xi32>
    %swap3A_370 = arith.constant 1 : i32
    %swap3A_371 = arith.index_cast %swap3A_370 : i32 to index
    %swap3A_372 = arith.constant 96 : index
    %swap3A_373 = tpu.vector_load %arg10[%swap3A_371, %swap3A_372] {strides = array<i32>} : memref<4x128xi32, #tpu.memory_space<vmem>>, vector<1x16xi32>,
    %swap3A_374 = vector.shape_cast %swap3A_373 : vector<1x16xi32> to vector<16xi32>
    %swap3A_375 = vector.shape_cast %add3A_369 : vector<16xi32> to vector<1x16xi32>
    tpu.vector_store %arg10[%swap3A_371, %swap3A_372], %swap3A_375 {strides = array<i32>} : memref<4x128xi32, #tpu.memory_space<vmem>>, vector<1x16xi32>,
    %add3A_376 = arith.constant 128 : i32
    %add3A_377 = arith.addi %mul3A_2, %add3A_376 : i32
    %add3A_378 = arith.constant 112 : i32
    %add3A_379 = arith.addi %add3A_377, %add3A_378 : i32
    %mul3A_380 = arith.constant 2 : i32
    %mul3A_381 = arith.muli %mul3A_380, %add3A_379 : i32
    %add3A_382 = vector.broadcast %mul3A_381 : i32 to vector<16xi32>
    %add3A_383 = arith.addi %mul3A_16, %add3A_382 : vector<16xi32>
    %swap3A_384 = arith.constant 1 : i32
    %swap3A_385 = arith.index_cast %swap3A_384 : i32 to index
    %swap3A_386 = arith.constant 112 : index
    %swap3A_387 = tpu.vector_load %arg9[%swap3A_385, %swap3A_386] {strides = array<i32>} : memref<4x128xi32, #tpu.memory_space<vmem>>, vector<1x16xi32>,
    %swap3A_388 = vector.shape_cast %swap3A_387 : vector<1x16xi32> to vector<16xi32>
    %swap3A_389 = vector.shape_cast %add3A_383 : vector<16xi32> to vector<1x16xi32>
    tpu.vector_store %arg9[%swap3A_385, %swap3A_386], %swap3A_389 {strides = array<i32>} : memref<4x128xi32, #tpu.memory_space<vmem>>, vector<1x16xi32>,
    %add3A_390 = arith.constant 1 : i32
    %add3A_391 = arith.addi %mul3A_381, %add3A_390 : i32
    %add3A_392 = vector.broadcast %add3A_391 : i32 to vector<16xi32>
    %add3A_393 = arith.addi %mul3A_16, %add3A_392 : vector<16xi32>
    %swap3A_394 = arith.constant 1 : i32
    %swap3A_395 = arith.index_cast %swap3A_394 : i32 to index
    %swap3A_396 = arith.constant 112 : index
    %swap3A_397 = tpu.vector_load %arg10[%swap3A_395, %swap3A_396] {strides = array<i32>} : memref<4x128xi32, #tpu.memory_space<vmem>>, vector<1x16xi32>,
    %swap3A_398 = vector.shape_cast %swap3A_397 : vector<1x16xi32> to vector<16xi32>
    %swap3A_399 = vector.shape_cast %add3A_393 : vector<16xi32> to vector<1x16xi32>
    tpu.vector_store %arg10[%swap3A_395, %swap3A_396], %swap3A_399 {strides = array<i32>} : memref<4x128xi32, #tpu.memory_space<vmem>>, vector<1x16xi32>,
    %add3A_400 = arith.constant 256 : i32
    %add3A_401 = arith.addi %mul3A_2, %add3A_400 : i32
    %add3A_402 = arith.constant 0 : i32
    %add3A_403 = arith.addi %add3A_401, %add3A_402 : i32
    %mul3A_404 = arith.constant 2 : i32
    %mul3A_405 = arith.muli %mul3A_404, %add3A_403 : i32
    %add3A_406 = vector.broadcast %mul3A_405 : i32 to vector<16xi32>
    %add3A_407 = arith.addi %mul3A_16, %add3A_406 : vector<16xi32>
    %swap3A_408 = arith.constant 2 : i32
    %swap3A_409 = arith.index_cast %swap3A_408 : i32 to index
    %swap3A_410 = arith.constant 0 : index
    %swap3A_411 = tpu.vector_load %arg9[%swap3A_409, %swap3A_410] {strides = array<i32>} : memref<4x128xi32, #tpu.memory_space<vmem>>, vector<1x16xi32>,
    %swap3A_412 = vector.shape_cast %swap3A_411 : vector<1x16xi32> to vector<16xi32>
    %swap3A_413 = vector.shape_cast %add3A_407 : vector<16xi32> to vector<1x16xi32>
    tpu.vector_store %arg9[%swap3A_409, %swap3A_410], %swap3A_413 {strides = array<i32>} : memref<4x128xi32, #tpu.memory_space<vmem>>, vector<1x16xi32>,
    %add3A_414 = arith.constant 1 : i32
    %add3A_415 = arith.addi %mul3A_405, %add3A_414 : i32
    %add3A_416 = vector.broadcast %add3A_415 : i32 to vector<16xi32>
    %add3A_417 = arith.addi %mul3A_16, %add3A_416 : vector<16xi32>
    %swap3A_418 = arith.constant 2 : i32
    %swap3A_419 = arith.index_cast %swap3A_418 : i32 to index
    %swap3A_420 = arith.constant 0 : index
    %swap3A_421 = tpu.vector_load %arg10[%swap3A_419, %swap3A_420] {strides = array<i32>} : memref<4x128xi32, #tpu.memory_space<vmem>>, vector<1x16xi32>,
    %swap3A_422 = vector.shape_cast %swap3A_421 : vector<1x16xi32> to vector<16xi32>
    %swap3A_423 = vector.shape_cast %add3A_417 : vector<16xi32> to vector<1x16xi32>
    tpu.vector_store %arg10[%swap3A_419, %swap3A_420], %swap3A_423 {strides = array<i32>} : memref<4x128xi32, #tpu.memory_space<vmem>>, vector<1x16xi32>,
    %add3A_424 = arith.constant 256 : i32
    %add3A_425 = arith.addi %mul3A_2, %add3A_424 : i32
    %add3A_426 = arith.constant 16 : i32
    %add3A_427 = arith.addi %add3A_425, %add3A_426 : i32
    %mul3A_428 = arith.constant 2 : i32
    %mul3A_429 = arith.muli %mul3A_428, %add3A_427 : i32
    %add3A_430 = vector.broadcast %mul3A_429 : i32 to vector<16xi32>
    %add3A_431 = arith.addi %mul3A_16, %add3A_430 : vector<16xi32>
    %swap3A_432 = arith.constant 2 : i32
    %swap3A_433 = arith.index_cast %swap3A_432 : i32 to index
    %swap3A_434 = arith.constant 16 : index
    %swap3A_435 = tpu.vector_load %arg9[%swap3A_433, %swap3A_434] {strides = array<i32>} : memref<4x128xi32, #tpu.memory_space<vmem>>, vector<1x16xi32>,
    %swap3A_436 = vector.shape_cast %swap3A_435 : vector<1x16xi32> to vector<16xi32>
    %swap3A_437 = vector.shape_cast %add3A_431 : vector<16xi32> to vector<1x16xi32>
    tpu.vector_store %arg9[%swap3A_433, %swap3A_434], %swap3A_437 {strides = array<i32>} : memref<4x128xi32, #tpu.memory_space<vmem>>, vector<1x16xi32>,
    %add3A_438 = arith.constant 1 : i32
    %add3A_439 = arith.addi %mul3A_429, %add3A_438 : i32
    %add3A_440 = vector.broadcast %add3A_439 : i32 to vector<16xi32>
    %add3A_441 = arith.addi %mul3A_16, %add3A_440 : vector<16xi32>
    %swap3A_442 = arith.constant 2 : i32
    %swap3A_443 = arith.index_cast %swap3A_442 : i32 to index
    %swap3A_444 = arith.constant 16 : index
    %swap3A_445 = tpu.vector_load %arg10[%swap3A_443, %swap3A_444] {strides = array<i32>} : memref<4x128xi32, #tpu.memory_space<vmem>>, vector<1x16xi32>,
    %swap3A_446 = vector.shape_cast %swap3A_445 : vector<1x16xi32> to vector<16xi32>
    %swap3A_447 = vector.shape_cast %add3A_441 : vector<16xi32> to vector<1x16xi32>
    tpu.vector_store %arg10[%swap3A_443, %swap3A_444], %swap3A_447 {strides = array<i32>} : memref<4x128xi32, #tpu.memory_space<vmem>>, vector<1x16xi32>,
    %add3A_448 = arith.constant 256 : i32
    %add3A_449 = arith.addi %mul3A_2, %add3A_448 : i32
    %add3A_450 = arith.constant 32 : i32
    %add3A_451 = arith.addi %add3A_449, %add3A_450 : i32
    %mul3A_452 = arith.constant 2 : i32
    %mul3A_453 = arith.muli %mul3A_452, %add3A_451 : i32
    %add3A_454 = vector.broadcast %mul3A_453 : i32 to vector<16xi32>
    %add3A_455 = arith.addi %mul3A_16, %add3A_454 : vector<16xi32>
    %swap3A_456 = arith.constant 2 : i32
    %swap3A_457 = arith.index_cast %swap3A_456 : i32 to index
    %swap3A_458 = arith.constant 32 : index
    %swap3A_459 = tpu.vector_load %arg9[%swap3A_457, %swap3A_458] {strides = array<i32>} : memref<4x128xi32, #tpu.memory_space<vmem>>, vector<1x16xi32>,
    %swap3A_460 = vector.shape_cast %swap3A_459 : vector<1x16xi32> to vector<16xi32>
    %swap3A_461 = vector.shape_cast %add3A_455 : vector<16xi32> to vector<1x16xi32>
    tpu.vector_store %arg9[%swap3A_457, %swap3A_458], %swap3A_461 {strides = array<i32>} : memref<4x128xi32, #tpu.memory_space<vmem>>, vector<1x16xi32>,
    %add3A_462 = arith.constant 1 : i32
    %add3A_463 = arith.addi %mul3A_453, %add3A_462 : i32
    %add3A_464 = vector.broadcast %add3A_463 : i32 to vector<16xi32>
    %add3A_465 = arith.addi %mul3A_16, %add3A_464 : vector<16xi32>
    %swap3A_466 = arith.constant 2 : i32
    %swap3A_467 = arith.index_cast %swap3A_466 : i32 to index
    %swap3A_468 = arith.constant 32 : index
    %swap3A_469 = tpu.vector_load %arg10[%swap3A_467, %swap3A_468] {strides = array<i32>} : memref<4x128xi32, #tpu.memory_space<vmem>>, vector<1x16xi32>,
    %swap3A_470 = vector.shape_cast %swap3A_469 : vector<1x16xi32> to vector<16xi32>
    %swap3A_471 = vector.shape_cast %add3A_465 : vector<16xi32> to vector<1x16xi32>
    tpu.vector_store %arg10[%swap3A_467, %swap3A_468], %swap3A_471 {strides = array<i32>} : memref<4x128xi32, #tpu.memory_space<vmem>>, vector<1x16xi32>,
    %add3A_472 = arith.constant 256 : i32
    %add3A_473 = arith.addi %mul3A_2, %add3A_472 : i32
    %add3A_474 = arith.constant 48 : i32
    %add3A_475 = arith.addi %add3A_473, %add3A_474 : i32
    %mul3A_476 = arith.constant 2 : i32
    %mul3A_477 = arith.muli %mul3A_476, %add3A_475 : i32
    %add3A_478 = vector.broadcast %mul3A_477 : i32 to vector<16xi32>
    %add3A_479 = arith.addi %mul3A_16, %add3A_478 : vector<16xi32>
    %swap3A_480 = arith.constant 2 : i32
    %swap3A_481 = arith.index_cast %swap3A_480 : i32 to index
    %swap3A_482 = arith.constant 48 : index
    %swap3A_483 = tpu.vector_load %arg9[%swap3A_481, %swap3A_482] {strides = array<i32>} : memref<4x128xi32, #tpu.memory_space<vmem>>, vector<1x16xi32>,
    %swap3A_484 = vector.shape_cast %swap3A_483 : vector<1x16xi32> to vector<16xi32>
    %swap3A_485 = vector.shape_cast %add3A_479 : vector<16xi32> to vector<1x16xi32>
    tpu.vector_store %arg9[%swap3A_481, %swap3A_482], %swap3A_485 {strides = array<i32>} : memref<4x128xi32, #tpu.memory_space<vmem>>, vector<1x16xi32>,
    %add3A_486 = arith.constant 1 : i32
    %add3A_487 = arith.addi %mul3A_477, %add3A_486 : i32
    %add3A_488 = vector.broadcast %add3A_487 : i32 to vector<16xi32>
    %add3A_489 = arith.addi %mul3A_16, %add3A_488 : vector<16xi32>
    %swap3A_490 = arith.constant 2 : i32
    %swap3A_491 = arith.index_cast %swap3A_490 : i32 to index
    %swap3A_492 = arith.constant 48 : index
    %swap3A_493 = tpu.vector_load %arg10[%swap3A_491, %swap3A_492] {strides = array<i32>} : memref<4x128xi32, #tpu.memory_space<vmem>>, vector<1x16xi32>,
    %swap3A_494 = vector.shape_cast %swap3A_493 : vector<1x16xi32> to vector<16xi32>
    %swap3A_495 = vector.shape_cast %add3A_489 : vector<16xi32> to vector<1x16xi32>
    tpu.vector_store %arg10[%swap3A_491, %swap3A_492], %swap3A_495 {strides = array<i32>} : memref<4x128xi32, #tpu.memory_space<vmem>>, vector<1x16xi32>,
    %add3A_496 = arith.constant 256 : i32
    %add3A_497 = arith.addi %mul3A_2, %add3A_496 : i32
    %add3A_498 = arith.constant 64 : i32
    %add3A_499 = arith.addi %add3A_497, %add3A_498 : i32
    %mul3A_500 = arith.constant 2 : i32
    %mul3A_501 = arith.muli %mul3A_500, %add3A_499 : i32
    %add3A_502 = vector.broadcast %mul3A_501 : i32 to vector<16xi32>
    %add3A_503 = arith.addi %mul3A_16, %add3A_502 : vector<16xi32>
    %swap3A_504 = arith.constant 2 : i32
    %swap3A_505 = arith.index_cast %swap3A_504 : i32 to index
    %swap3A_506 = arith.constant 64 : index
    %swap3A_507 = tpu.vector_load %arg9[%swap3A_505, %swap3A_506] {strides = array<i32>} : memref<4x128xi32, #tpu.memory_space<vmem>>, vector<1x16xi32>,
    %swap3A_508 = vector.shape_cast %swap3A_507 : vector<1x16xi32> to vector<16xi32>
    %swap3A_509 = vector.shape_cast %add3A_503 : vector<16xi32> to vector<1x16xi32>
    tpu.vector_store %arg9[%swap3A_505, %swap3A_506], %swap3A_509 {strides = array<i32>} : memref<4x128xi32, #tpu.memory_space<vmem>>, vector<1x16xi32>,
    %add3A_510 = arith.constant 1 : i32
    %add3A_511 = arith.addi %mul3A_501, %add3A_510 : i32
    %add3A_512 = vector.broadcast %add3A_511 : i32 to vector<16xi32>
    %add3A_513 = arith.addi %mul3A_16, %add3A_512 : vector<16xi32>
    %swap3A_514 = arith.constant 2 : i32
    %swap3A_515 = arith.index_cast %swap3A_514 : i32 to index
    %swap3A_516 = arith.constant 64 : index
    %swap3A_517 = tpu.vector_load %arg10[%swap3A_515, %swap3A_516] {strides = array<i32>} : memref<4x128xi32, #tpu.memory_space<vmem>>, vector<1x16xi32>,
    %swap3A_518 = vector.shape_cast %swap3A_517 : vector<1x16xi32> to vector<16xi32>
    %swap3A_519 = vector.shape_cast %add3A_513 : vector<16xi32> to vector<1x16xi32>
    tpu.vector_store %arg10[%swap3A_515, %swap3A_516], %swap3A_519 {strides = array<i32>} : memref<4x128xi32, #tpu.memory_space<vmem>>, vector<1x16xi32>,
    %add3A_520 = arith.constant 256 : i32
    %add3A_521 = arith.addi %mul3A_2, %add3A_520 : i32
    %add3A_522 = arith.constant 80 : i32
    %add3A_523 = arith.addi %add3A_521, %add3A_522 : i32
    %mul3A_524 = arith.constant 2 : i32
    %mul3A_525 = arith.muli %mul3A_524, %add3A_523 : i32
    %add3A_526 = vector.broadcast %mul3A_525 : i32 to vector<16xi32>
    %add3A_527 = arith.addi %mul3A_16, %add3A_526 : vector<16xi32>
    %swap3A_528 = arith.constant 2 : i32
    %swap3A_529 = arith.index_cast %swap3A_528 : i32 to index
    %swap3A_530 = arith.constant 80 : index
    %swap3A_531 = tpu.vector_load %arg9[%swap3A_529, %swap3A_530] {strides = array<i32>} : memref<4x128xi32, #tpu.memory_space<vmem>>, vector<1x16xi32>,
    %swap3A_532 = vector.shape_cast %swap3A_531 : vector<1x16xi32> to vector<16xi32>
    %swap3A_533 = vector.shape_cast %add3A_527 : vector<16xi32> to vector<1x16xi32>
    tpu.vector_store %arg9[%swap3A_529, %swap3A_530], %swap3A_533 {strides = array<i32>} : memref<4x128xi32, #tpu.memory_space<vmem>>, vector<1x16xi32>,
    %add3A_534 = arith.constant 1 : i32
    %add3A_535 = arith.addi %mul3A_525, %add3A_534 : i32
    %add3A_536 = vector.broadcast %add3A_535 : i32 to vector<16xi32>
    %add3A_537 = arith.addi %mul3A_16, %add3A_536 : vector<16xi32>
    %swap3A_538 = arith.constant 2 : i32
    %swap3A_539 = arith.index_cast %swap3A_538 : i32 to index
    %swap3A_540 = arith.constant 80 : index
    %swap3A_541 = tpu.vector_load %arg10[%swap3A_539, %swap3A_540] {strides = array<i32>} : memref<4x128xi32, #tpu.memory_space<vmem>>, vector<1x16xi32>,
    %swap3A_542 = vector.shape_cast %swap3A_541 : vector<1x16xi32> to vector<16xi32>
    %swap3A_543 = vector.shape_cast %add3A_537 : vector<16xi32> to vector<1x16xi32>
    tpu.vector_store %arg10[%swap3A_539, %swap3A_540], %swap3A_543 {strides = array<i32>} : memref<4x128xi32, #tpu.memory_space<vmem>>, vector<1x16xi32>,
    %add3A_544 = arith.constant 256 : i32
    %add3A_545 = arith.addi %mul3A_2, %add3A_544 : i32
    %add3A_546 = arith.constant 96 : i32
    %add3A_547 = arith.addi %add3A_545, %add3A_546 : i32
    %mul3A_548 = arith.constant 2 : i32
    %mul3A_549 = arith.muli %mul3A_548, %add3A_547 : i32
    %add3A_550 = vector.broadcast %mul3A_549 : i32 to vector<16xi32>
    %add3A_551 = arith.addi %mul3A_16, %add3A_550 : vector<16xi32>
    %swap3A_552 = arith.constant 2 : i32
    %swap3A_553 = arith.index_cast %swap3A_552 : i32 to index
    %swap3A_554 = arith.constant 96 : index
    %swap3A_555 = tpu.vector_load %arg9[%swap3A_553, %swap3A_554] {strides = array<i32>} : memref<4x128xi32, #tpu.memory_space<vmem>>, vector<1x16xi32>,
    %swap3A_556 = vector.shape_cast %swap3A_555 : vector<1x16xi32> to vector<16xi32>
    %swap3A_557 = vector.shape_cast %add3A_551 : vector<16xi32> to vector<1x16xi32>
    tpu.vector_store %arg9[%swap3A_553, %swap3A_554], %swap3A_557 {strides = array<i32>} : memref<4x128xi32, #tpu.memory_space<vmem>>, vector<1x16xi32>,
    %add3A_558 = arith.constant 1 : i32
    %add3A_559 = arith.addi %mul3A_549, %add3A_558 : i32
    %add3A_560 = vector.broadcast %add3A_559 : i32 to vector<16xi32>
    %add3A_561 = arith.addi %mul3A_16, %add3A_560 : vector<16xi32>
    %swap3A_562 = arith.constant 2 : i32
    %swap3A_563 = arith.index_cast %swap3A_562 : i32 to index
    %swap3A_564 = arith.constant 96 : index
    %swap3A_565 = tpu.vector_load %arg10[%swap3A_563, %swap3A_564] {strides = array<i32>} : memref<4x128xi32, #tpu.memory_space<vmem>>, vector<1x16xi32>,
    %swap3A_566 = vector.shape_cast %swap3A_565 : vector<1x16xi32> to vector<16xi32>
    %swap3A_567 = vector.shape_cast %add3A_561 : vector<16xi32> to vector<1x16xi32>
    tpu.vector_store %arg10[%swap3A_563, %swap3A_564], %swap3A_567 {strides = array<i32>} : memref<4x128xi32, #tpu.memory_space<vmem>>, vector<1x16xi32>,
    %add3A_568 = arith.constant 256 : i32
    %add3A_569 = arith.addi %mul3A_2, %add3A_568 : i32
    %add3A_570 = arith.constant 112 : i32
    %add3A_571 = arith.addi %add3A_569, %add3A_570 : i32
    %mul3A_572 = arith.constant 2 : i32
    %mul3A_573 = arith.muli %mul3A_572, %add3A_571 : i32
    %add3A_574 = vector.broadcast %mul3A_573 : i32 to vector<16xi32>
    %add3A_575 = arith.addi %mul3A_16, %add3A_574 : vector<16xi32>
    %swap3A_576 = arith.constant 2 : i32
    %swap3A_577 = arith.index_cast %swap3A_576 : i32 to index
    %swap3A_578 = arith.constant 112 : index
    %swap3A_579 = tpu.vector_load %arg9[%swap3A_577, %swap3A_578] {strides = array<i32>} : memref<4x128xi32, #tpu.memory_space<vmem>>, vector<1x16xi32>,
    %swap3A_580 = vector.shape_cast %swap3A_579 : vector<1x16xi32> to vector<16xi32>
    %swap3A_581 = vector.shape_cast %add3A_575 : vector<16xi32> to vector<1x16xi32>
    tpu.vector_store %arg9[%swap3A_577, %swap3A_578], %swap3A_581 {strides = array<i32>} : memref<4x128xi32, #tpu.memory_space<vmem>>, vector<1x16xi32>,
    %add3A_582 = arith.constant 1 : i32
    %add3A_583 = arith.addi %mul3A_573, %add3A_582 : i32
    %add3A_584 = vector.broadcast %add3A_583 : i32 to vector<16xi32>
    %add3A_585 = arith.addi %mul3A_16, %add3A_584 : vector<16xi32>
    %swap3A_586 = arith.constant 2 : i32
    %swap3A_587 = arith.index_cast %swap3A_586 : i32 to index
    %swap3A_588 = arith.constant 112 : index
    %swap3A_589 = tpu.vector_load %arg10[%swap3A_587, %swap3A_588] {strides = array<i32>} : memref<4x128xi32, #tpu.memory_space<vmem>>, vector<1x16xi32>,
    %swap3A_590 = vector.shape_cast %swap3A_589 : vector<1x16xi32> to vector<16xi32>
    %swap3A_591 = vector.shape_cast %add3A_585 : vector<16xi32> to vector<1x16xi32>
    tpu.vector_store %arg10[%swap3A_587, %swap3A_588], %swap3A_591 {strides = array<i32>} : memref<4x128xi32, #tpu.memory_space<vmem>>, vector<1x16xi32>,
    %add3A_592 = arith.constant 384 : i32
    %add3A_593 = arith.addi %mul3A_2, %add3A_592 : i32
    %add3A_594 = arith.constant 0 : i32
    %add3A_595 = arith.addi %add3A_593, %add3A_594 : i32
    %mul3A_596 = arith.constant 2 : i32
    %mul3A_597 = arith.muli %mul3A_596, %add3A_595 : i32
    %add3A_598 = vector.broadcast %mul3A_597 : i32 to vector<16xi32>
    %add3A_599 = arith.addi %mul3A_16, %add3A_598 : vector<16xi32>
    %swap3A_600 = arith.constant 3 : i32
    %swap3A_601 = arith.index_cast %swap3A_600 : i32 to index
    %swap3A_602 = arith.constant 0 : index
    %swap3A_603 = tpu.vector_load %arg9[%swap3A_601, %swap3A_602] {strides = array<i32>} : memref<4x128xi32, #tpu.memory_space<vmem>>, vector<1x16xi32>,
    %swap3A_604 = vector.shape_cast %swap3A_603 : vector<1x16xi32> to vector<16xi32>
    %swap3A_605 = vector.shape_cast %add3A_599 : vector<16xi32> to vector<1x16xi32>
    tpu.vector_store %arg9[%swap3A_601, %swap3A_602], %swap3A_605 {strides = array<i32>} : memref<4x128xi32, #tpu.memory_space<vmem>>, vector<1x16xi32>,
    %add3A_606 = arith.constant 1 : i32
    %add3A_607 = arith.addi %mul3A_597, %add3A_606 : i32
    %add3A_608 = vector.broadcast %add3A_607 : i32 to vector<16xi32>
    %add3A_609 = arith.addi %mul3A_16, %add3A_608 : vector<16xi32>
    %swap3A_610 = arith.constant 3 : i32
    %swap3A_611 = arith.index_cast %swap3A_610 : i32 to index
    %swap3A_612 = arith.constant 0 : index
    %swap3A_613 = tpu.vector_load %arg10[%swap3A_611, %swap3A_612] {strides = array<i32>} : memref<4x128xi32, #tpu.memory_space<vmem>>, vector<1x16xi32>,
    %swap3A_614 = vector.shape_cast %swap3A_613 : vector<1x16xi32> to vector<16xi32>
    %swap3A_615 = vector.shape_cast %add3A_609 : vector<16xi32> to vector<1x16xi32>
    tpu.vector_store %arg10[%swap3A_611, %swap3A_612], %swap3A_615 {strides = array<i32>} : memref<4x128xi32, #tpu.memory_space<vmem>>, vector<1x16xi32>,
    %add3A_616 = arith.constant 384 : i32
    %add3A_617 = arith.addi %mul3A_2, %add3A_616 : i32
    %add3A_618 = arith.constant 16 : i32
    %add3A_619 = arith.addi %add3A_617, %add3A_618 : i32
    %mul3A_620 = arith.constant 2 : i32
    %mul3A_621 = arith.muli %mul3A_620, %add3A_619 : i32
    %add3A_622 = vector.broadcast %mul3A_621 : i32 to vector<16xi32>
    %add3A_623 = arith.addi %mul3A_16, %add3A_622 : vector<16xi32>
    %swap3A_624 = arith.constant 3 : i32
    %swap3A_625 = arith.index_cast %swap3A_624 : i32 to index
    %swap3A_626 = arith.constant 16 : index
    %swap3A_627 = tpu.vector_load %arg9[%swap3A_625, %swap3A_626] {strides = array<i32>} : memref<4x128xi32, #tpu.memory_space<vmem>>, vector<1x16xi32>,
    %swap3A_628 = vector.shape_cast %swap3A_627 : vector<1x16xi32> to vector<16xi32>
    %swap3A_629 = vector.shape_cast %add3A_623 : vector<16xi32> to vector<1x16xi32>
    tpu.vector_store %arg9[%swap3A_625, %swap3A_626], %swap3A_629 {strides = array<i32>} : memref<4x128xi32, #tpu.memory_space<vmem>>, vector<1x16xi32>,
    %add3A_630 = arith.constant 1 : i32
    %add3A_631 = arith.addi %mul3A_621, %add3A_630 : i32
    %add3A_632 = vector.broadcast %add3A_631 : i32 to vector<16xi32>
    %add3A_633 = arith.addi %mul3A_16, %add3A_632 : vector<16xi32>
    %swap3A_634 = arith.constant 3 : i32
    %swap3A_635 = arith.index_cast %swap3A_634 : i32 to index
    %swap3A_636 = arith.constant 16 : index
    %swap3A_637 = tpu.vector_load %arg10[%swap3A_635, %swap3A_636] {strides = array<i32>} : memref<4x128xi32, #tpu.memory_space<vmem>>, vector<1x16xi32>,
    %swap3A_638 = vector.shape_cast %swap3A_637 : vector<1x16xi32> to vector<16xi32>
    %swap3A_639 = vector.shape_cast %add3A_633 : vector<16xi32> to vector<1x16xi32>
    tpu.vector_store %arg10[%swap3A_635, %swap3A_636], %swap3A_639 {strides = array<i32>} : memref<4x128xi32, #tpu.memory_space<vmem>>, vector<1x16xi32>,
    %add3A_640 = arith.constant 384 : i32
    %add3A_641 = arith.addi %mul3A_2, %add3A_640 : i32
    %add3A_642 = arith.constant 32 : i32
    %add3A_643 = arith.addi %add3A_641, %add3A_642 : i32
    %mul3A_644 = arith.constant 2 : i32
    %mul3A_645 = arith.muli %mul3A_644, %add3A_643 : i32
    %add3A_646 = vector.broadcast %mul3A_645 : i32 to vector<16xi32>
    %add3A_647 = arith.addi %mul3A_16, %add3A_646 : vector<16xi32>
    %swap3A_648 = arith.constant 3 : i32
    %swap3A_649 = arith.index_cast %swap3A_648 : i32 to index
    %swap3A_650 = arith.constant 32 : index
    %swap3A_651 = tpu.vector_load %arg9[%swap3A_649, %swap3A_650] {strides = array<i32>} : memref<4x128xi32, #tpu.memory_space<vmem>>, vector<1x16xi32>,
    %swap3A_652 = vector.shape_cast %swap3A_651 : vector<1x16xi32> to vector<16xi32>
    %swap3A_653 = vector.shape_cast %add3A_647 : vector<16xi32> to vector<1x16xi32>
    tpu.vector_store %arg9[%swap3A_649, %swap3A_650], %swap3A_653 {strides = array<i32>} : memref<4x128xi32, #tpu.memory_space<vmem>>, vector<1x16xi32>,
    %add3A_654 = arith.constant 1 : i32
    %add3A_655 = arith.addi %mul3A_645, %add3A_654 : i32
    %add3A_656 = vector.broadcast %add3A_655 : i32 to vector<16xi32>
    %add3A_657 = arith.addi %mul3A_16, %add3A_656 : vector<16xi32>
    %swap3A_658 = arith.constant 3 : i32
    %swap3A_659 = arith.index_cast %swap3A_658 : i32 to index
    %swap3A_660 = arith.constant 32 : index
    %swap3A_661 = tpu.vector_load %arg10[%swap3A_659, %swap3A_660] {strides = array<i32>} : memref<4x128xi32, #tpu.memory_space<vmem>>, vector<1x16xi32>,
    %swap3A_662 = vector.shape_cast %swap3A_661 : vector<1x16xi32> to vector<16xi32>
    %swap3A_663 = vector.shape_cast %add3A_657 : vector<16xi32> to vector<1x16xi32>
    tpu.vector_store %arg10[%swap3A_659, %swap3A_660], %swap3A_663 {strides = array<i32>} : memref<4x128xi32, #tpu.memory_space<vmem>>, vector<1x16xi32>,
    %add3A_664 = arith.constant 384 : i32
    %add3A_665 = arith.addi %mul3A_2, %add3A_664 : i32
    %add3A_666 = arith.constant 48 : i32
    %add3A_667 = arith.addi %add3A_665, %add3A_666 : i32
    %mul3A_668 = arith.constant 2 : i32
    %mul3A_669 = arith.muli %mul3A_668, %add3A_667 : i32
    %add3A_670 = vector.broadcast %mul3A_669 : i32 to vector<16xi32>
    %add3A_671 = arith.addi %mul3A_16, %add3A_670 : vector<16xi32>
    %swap3A_672 = arith.constant 3 : i32
    %swap3A_673 = arith.index_cast %swap3A_672 : i32 to index
    %swap3A_674 = arith.constant 48 : index
    %swap3A_675 = tpu.vector_load %arg9[%swap3A_673, %swap3A_674] {strides = array<i32>} : memref<4x128xi32, #tpu.memory_space<vmem>>, vector<1x16xi32>,
    %swap3A_676 = vector.shape_cast %swap3A_675 : vector<1x16xi32> to vector<16xi32>
    %swap3A_677 = vector.shape_cast %add3A_671 : vector<16xi32> to vector<1x16xi32>
    tpu.vector_store %arg9[%swap3A_673, %swap3A_674], %swap3A_677 {strides = array<i32>} : memref<4x128xi32, #tpu.memory_space<vmem>>, vector<1x16xi32>,
    %add3A_678 = arith.constant 1 : i32
    %add3A_679 = arith.addi %mul3A_669, %add3A_678 : i32
    %add3A_680 = vector.broadcast %add3A_679 : i32 to vector<16xi32>
    %add3A_681 = arith.addi %mul3A_16, %add3A_680 : vector<16xi32>
    %swap3A_682 = arith.constant 3 : i32
    %swap3A_683 = arith.index_cast %swap3A_682 : i32 to index
    %swap3A_684 = arith.constant 48 : index
    %swap3A_685 = tpu.vector_load %arg10[%swap3A_683, %swap3A_684] {strides = array<i32>} : memref<4x128xi32, #tpu.memory_space<vmem>>, vector<1x16xi32>,
    %swap3A_686 = vector.shape_cast %swap3A_685 : vector<1x16xi32> to vector<16xi32>
    %swap3A_687 = vector.shape_cast %add3A_681 : vector<16xi32> to vector<1x16xi32>
    tpu.vector_store %arg10[%swap3A_683, %swap3A_684], %swap3A_687 {strides = array<i32>} : memref<4x128xi32, #tpu.memory_space<vmem>>, vector<1x16xi32>,
    %add3A_688 = arith.constant 384 : i32
    %add3A_689 = arith.addi %mul3A_2, %add3A_688 : i32
    %add3A_690 = arith.constant 64 : i32
    %add3A_691 = arith.addi %add3A_689, %add3A_690 : i32
    %mul3A_692 = arith.constant 2 : i32
    %mul3A_693 = arith.muli %mul3A_692, %add3A_691 : i32
    %add3A_694 = vector.broadcast %mul3A_693 : i32 to vector<16xi32>
    %add3A_695 = arith.addi %mul3A_16, %add3A_694 : vector<16xi32>
    %swap3A_696 = arith.constant 3 : i32
    %swap3A_697 = arith.index_cast %swap3A_696 : i32 to index
    %swap3A_698 = arith.constant 64 : index
    %swap3A_699 = tpu.vector_load %arg9[%swap3A_697, %swap3A_698] {strides = array<i32>} : memref<4x128xi32, #tpu.memory_space<vmem>>, vector<1x16xi32>,
    %swap3A_700 = vector.shape_cast %swap3A_699 : vector<1x16xi32> to vector<16xi32>
    %swap3A_701 = vector.shape_cast %add3A_695 : vector<16xi32> to vector<1x16xi32>
    tpu.vector_store %arg9[%swap3A_697, %swap3A_698], %swap3A_701 {strides = array<i32>} : memref<4x128xi32, #tpu.memory_space<vmem>>, vector<1x16xi32>,
    %add3A_702 = arith.constant 1 : i32
    %add3A_703 = arith.addi %mul3A_693, %add3A_702 : i32
    %add3A_704 = vector.broadcast %add3A_703 : i32 to vector<16xi32>
    %add3A_705 = arith.addi %mul3A_16, %add3A_704 : vector<16xi32>
    %swap3A_706 = arith.constant 3 : i32
    %swap3A_707 = arith.index_cast %swap3A_706 : i32 to index
    %swap3A_708 = arith.constant 64 : index
    %swap3A_709 = tpu.vector_load %arg10[%swap3A_707, %swap3A_708] {strides = array<i32>} : memref<4x128xi32, #tpu.memory_space<vmem>>, vector<1x16xi32>,
    %swap3A_710 = vector.shape_cast %swap3A_709 : vector<1x16xi32> to vector<16xi32>
    %swap3A_711 = vector.shape_cast %add3A_705 : vector<16xi32> to vector<1x16xi32>
    tpu.vector_store %arg10[%swap3A_707, %swap3A_708], %swap3A_711 {strides = array<i32>} : memref<4x128xi32, #tpu.memory_space<vmem>>, vector<1x16xi32>,
    %add3A_712 = arith.constant 384 : i32
    %add3A_713 = arith.addi %mul3A_2, %add3A_712 : i32
    %add3A_714 = arith.constant 80 : i32
    %add3A_715 = arith.addi %add3A_713, %add3A_714 : i32
    %mul3A_716 = arith.constant 2 : i32
    %mul3A_717 = arith.muli %mul3A_716, %add3A_715 : i32
    %add3A_718 = vector.broadcast %mul3A_717 : i32 to vector<16xi32>
    %add3A_719 = arith.addi %mul3A_16, %add3A_718 : vector<16xi32>
    %swap3A_720 = arith.constant 3 : i32
    %swap3A_721 = arith.index_cast %swap3A_720 : i32 to index
    %swap3A_722 = arith.constant 80 : index
    %swap3A_723 = tpu.vector_load %arg9[%swap3A_721, %swap3A_722] {strides = array<i32>} : memref<4x128xi32, #tpu.memory_space<vmem>>, vector<1x16xi32>,
    %swap3A_724 = vector.shape_cast %swap3A_723 : vector<1x16xi32> to vector<16xi32>
    %swap3A_725 = vector.shape_cast %add3A_719 : vector<16xi32> to vector<1x16xi32>
    tpu.vector_store %arg9[%swap3A_721, %swap3A_722], %swap3A_725 {strides = array<i32>} : memref<4x128xi32, #tpu.memory_space<vmem>>, vector<1x16xi32>,
    %add3A_726 = arith.constant 1 : i32
    %add3A_727 = arith.addi %mul3A_717, %add3A_726 : i32
    %add3A_728 = vector.broadcast %add3A_727 : i32 to vector<16xi32>
    %add3A_729 = arith.addi %mul3A_16, %add3A_728 : vector<16xi32>
    %swap3A_730 = arith.constant 3 : i32
    %swap3A_731 = arith.index_cast %swap3A_730 : i32 to index
    %swap3A_732 = arith.constant 80 : index
    %swap3A_733 = tpu.vector_load %arg10[%swap3A_731, %swap3A_732] {strides = array<i32>} : memref<4x128xi32, #tpu.memory_space<vmem>>, vector<1x16xi32>,
    %swap3A_734 = vector.shape_cast %swap3A_733 : vector<1x16xi32> to vector<16xi32>
    %swap3A_735 = vector.shape_cast %add3A_729 : vector<16xi32> to vector<1x16xi32>
    tpu.vector_store %arg10[%swap3A_731, %swap3A_732], %swap3A_735 {strides = array<i32>} : memref<4x128xi32, #tpu.memory_space<vmem>>, vector<1x16xi32>,
    %add3A_736 = arith.constant 384 : i32
    %add3A_737 = arith.addi %mul3A_2, %add3A_736 : i32
    %add3A_738 = arith.constant 96 : i32
    %add3A_739 = arith.addi %add3A_737, %add3A_738 : i32
    %mul3A_740 = arith.constant 2 : i32
    %mul3A_741 = arith.muli %mul3A_740, %add3A_739 : i32
    %add3A_742 = vector.broadcast %mul3A_741 : i32 to vector<16xi32>
    %add3A_743 = arith.addi %mul3A_16, %add3A_742 : vector<16xi32>
    %swap3A_744 = arith.constant 3 : i32
    %swap3A_745 = arith.index_cast %swap3A_744 : i32 to index
    %swap3A_746 = arith.constant 96 : index
    %swap3A_747 = tpu.vector_load %arg9[%swap3A_745, %swap3A_746] {strides = array<i32>} : memref<4x128xi32, #tpu.memory_space<vmem>>, vector<1x16xi32>,
    %swap3A_748 = vector.shape_cast %swap3A_747 : vector<1x16xi32> to vector<16xi32>
    %swap3A_749 = vector.shape_cast %add3A_743 : vector<16xi32> to vector<1x16xi32>
    tpu.vector_store %arg9[%swap3A_745, %swap3A_746], %swap3A_749 {strides = array<i32>} : memref<4x128xi32, #tpu.memory_space<vmem>>, vector<1x16xi32>,
    %add3A_750 = arith.constant 1 : i32
    %add3A_751 = arith.addi %mul3A_741, %add3A_750 : i32
    %add3A_752 = vector.broadcast %add3A_751 : i32 to vector<16xi32>
    %add3A_753 = arith.addi %mul3A_16, %add3A_752 : vector<16xi32>
    %swap3A_754 = arith.constant 3 : i32
    %swap3A_755 = arith.index_cast %swap3A_754 : i32 to index
    %swap3A_756 = arith.constant 96 : index
    %swap3A_757 = tpu.vector_load %arg10[%swap3A_755, %swap3A_756] {strides = array<i32>} : memref<4x128xi32, #tpu.memory_space<vmem>>, vector<1x16xi32>,
    %swap3A_758 = vector.shape_cast %swap3A_757 : vector<1x16xi32> to vector<16xi32>
    %swap3A_759 = vector.shape_cast %add3A_753 : vector<16xi32> to vector<1x16xi32>
    tpu.vector_store %arg10[%swap3A_755, %swap3A_756], %swap3A_759 {strides = array<i32>} : memref<4x128xi32, #tpu.memory_space<vmem>>, vector<1x16xi32>,
    %add3A_760 = arith.constant 384 : i32
    %add3A_761 = arith.addi %mul3A_2, %add3A_760 : i32
    %add3A_762 = arith.constant 112 : i32
    %add3A_763 = arith.addi %add3A_761, %add3A_762 : i32
    %mul3A_764 = arith.constant 2 : i32
    %mul3A_765 = arith.muli %mul3A_764, %add3A_763 : i32
    %add3A_766 = vector.broadcast %mul3A_765 : i32 to vector<16xi32>
    %add3A_767 = arith.addi %mul3A_16, %add3A_766 : vector<16xi32>
    %swap3A_768 = arith.constant 3 : i32
    %swap3A_769 = arith.index_cast %swap3A_768 : i32 to index
    %swap3A_770 = arith.constant 112 : index
    %swap3A_771 = tpu.vector_load %arg9[%swap3A_769, %swap3A_770] {strides = array<i32>} : memref<4x128xi32, #tpu.memory_space<vmem>>, vector<1x16xi32>,
    %swap3A_772 = vector.shape_cast %swap3A_771 : vector<1x16xi32> to vector<16xi32>
    %swap3A_773 = vector.shape_cast %add3A_767 : vector<16xi32> to vector<1x16xi32>
    tpu.vector_store %arg9[%swap3A_769, %swap3A_770], %swap3A_773 {strides = array<i32>} : memref<4x128xi32, #tpu.memory_space<vmem>>, vector<1x16xi32>,
    %add3A_774 = arith.constant 1 : i32
    %add3A_775 = arith.addi %mul3A_765, %add3A_774 : i32
    %add3A_776 = vector.broadcast %add3A_775 : i32 to vector<16xi32>
    %add3A_777 = arith.addi %mul3A_16, %add3A_776 : vector<16xi32>
    %swap3A_778 = arith.constant 3 : i32
    %swap3A_779 = arith.index_cast %swap3A_778 : i32 to index
    %swap3A_780 = arith.constant 112 : index
    %swap3A_781 = tpu.vector_load %arg10[%swap3A_779, %swap3A_780] {strides = array<i32>} : memref<4x128xi32, #tpu.memory_space<vmem>>, vector<1x16xi32>,
    %swap3A_782 = vector.shape_cast %swap3A_781 : vector<1x16xi32> to vector<16xi32>
    %swap3A_783 = vector.shape_cast %add3A_777 : vector<16xi32> to vector<1x16xi32>
    tpu.vector_store %arg10[%swap3A_779, %swap3A_780], %swap3A_783 {strides = array<i32>} : memref<4x128xi32, #tpu.memory_space<vmem>>, vector<1x16xi32>,
    %dma_wait3A = arith.constant 0 : i32
    %dma_wait3A_784 = tpu.memref_slice %arg2[%mul3A_4, %dma_wait3A] : memref<128x128xi32, #tpu.memory_space<hbm>> -> memref<4x128xi32, #tpu.memory_space<hbm>>
    %dma_wait3A_785 = arith.constant 0 : i32
    %dma_wait3A_786 = tpu.memref_slice %arg2[%mul3A_4, %dma_wait3A_785] : memref<128x128xi32, #tpu.memory_space<hbm>> -> memref<4x128xi32, #tpu.memory_space<hbm>>
    tpu.wait_dma2 semaphore(%arg13 : memref<!tpu.dma_semaphore, #tpu.memory_space<semaphore_mem>>) src(%dma_wait3A_786 : memref<4x128xi32, #tpu.memory_space<hbm>>) dst(%arg7 : memref<4x128xi32, #tpu.memory_space<vmem>>)
    %dma_wait3A_787 = arith.constant 0 : i32
    %dma_wait3A_788 = tpu.memref_slice %arg3[%mul3A_9, %dma_wait3A_787] : memref<128x128xi32, #tpu.memory_space<hbm>> -> memref<4x128xi32, #tpu.memory_space<hbm>>
    %dma_wait3A_789 = arith.constant 0 : i32
    %dma_wait3A_790 = tpu.memref_slice %arg3[%mul3A_9, %dma_wait3A_789] : memref<128x128xi32, #tpu.memory_space<hbm>> -> memref<4x128xi32, #tpu.memory_space<hbm>>
    tpu.wait_dma2 semaphore(%arg13 : memref<!tpu.dma_semaphore, #tpu.memory_space<semaphore_mem>>) src(%dma_wait3A_790 : memref<4x128xi32, #tpu.memory_space<hbm>>) dst(%arg8 : memref<4x128xi32, #tpu.memory_space<vmem>>)
    %dma_start3A_791 = arith.constant 0 : i32
    %dma_start3A_792 = arith.constant 0 : i32
    %dma_start3A_793 = arith.constant 0 : i32
    %dma_start3A_794 = tpu.memref_slice %arg11[%dma_start3A_792, %dma_start3A_793] : memref<512x32xf32, #tpu.memory_space<vmem>> -> memref<128x32xf32, #tpu.memory_space<vmem>>
    %dma_start3A_795 = arith.constant 0 : i32
    %dma_start3A_796 = tpu.memref_slice %arg7[%dma_start3A_791, %dma_start3A_795] : memref<4x128xi32, #tpu.memory_space<vmem>> -> memref<1x128xi32, #tpu.memory_space<vmem>>
    %dma_start3A_797 = tpu.memref_squeeze %dma_start3A_796 : memref<1x128xi32, #tpu.memory_space<vmem>> -> memref<128xi32, #tpu.memory_space<vmem>>
    %dma_start3A_798 = arith.constant 0 : i32
    %dma_start3A_799 = arith.constant 0 : i32
    %dma_start3A_800 = tpu.memref_slice %arg4[%dma_start3A_798, %dma_start3A_799] : memref<1000000x32xf32, #tpu.memory_space<hbm>> -> memref<1000000x32xf32, #tpu.memory_space<hbm>>
    tpu.enqueue_indirect_dma source(%dma_start3A_800 : memref<1000000x32xf32, #tpu.memory_space<hbm>>) target(%dma_start3A_794 : memref<128x32xf32, #tpu.memory_space<vmem>>) offsets(%dma_start3A_797 : memref<128xi32, #tpu.memory_space<vmem>>) semaphore(%arg13 : memref<!tpu.dma_semaphore, #tpu.memory_space<semaphore_mem>>)
    %dma_start3A_801 = arith.constant 0 : i32
    %dma_start3A_802 = arith.constant 0 : i32
    %dma_start3A_803 = arith.constant 0 : i32
    %dma_start3A_804 = tpu.memref_slice %arg12[%dma_start3A_802, %dma_start3A_803] : memref<512x32xf32, #tpu.memory_space<vmem>> -> memref<128x32xf32, #tpu.memory_space<vmem>>
    %dma_start3A_805 = arith.constant 0 : i32
    %dma_start3A_806 = tpu.memref_slice %arg8[%dma_start3A_801, %dma_start3A_805] : memref<4x128xi32, #tpu.memory_space<vmem>> -> memref<1x128xi32, #tpu.memory_space<vmem>>
    %dma_start3A_807 = tpu.memref_squeeze %dma_start3A_806 : memref<1x128xi32, #tpu.memory_space<vmem>> -> memref<128xi32, #tpu.memory_space<vmem>>
    %dma_start3A_808 = arith.constant 0 : i32
    %dma_start3A_809 = arith.constant 0 : i32
    %dma_start3A_810 = tpu.memref_slice %arg5[%dma_start3A_808, %dma_start3A_809] : memref<100000x32xf32, #tpu.memory_space<hbm>> -> memref<100000x32xf32, #tpu.memory_space<hbm>>
    tpu.enqueue_indirect_dma source(%dma_start3A_810 : memref<100000x32xf32, #tpu.memory_space<hbm>>) target(%dma_start3A_804 : memref<128x32xf32, #tpu.memory_space<vmem>>) offsets(%dma_start3A_807 : memref<128xi32, #tpu.memory_space<vmem>>) semaphore(%arg13 : memref<!tpu.dma_semaphore, #tpu.memory_space<semaphore_mem>>)
    %dma_start3A_811 = arith.constant 1 : i32
    %dma_start3A_812 = arith.constant 128 : i32
    %dma_start3A_813 = arith.constant 0 : i32
    %dma_start3A_814 = tpu.memref_slice %arg11[%dma_start3A_812, %dma_start3A_813] : memref<512x32xf32, #tpu.memory_space<vmem>> -> memref<128x32xf32, #tpu.memory_space<vmem>>
    %dma_start3A_815 = arith.constant 0 : i32
    %dma_start3A_816 = tpu.memref_slice %arg7[%dma_start3A_811, %dma_start3A_815] : memref<4x128xi32, #tpu.memory_space<vmem>> -> memref<1x128xi32, #tpu.memory_space<vmem>>
    %dma_start3A_817 = tpu.memref_squeeze %dma_start3A_816 : memref<1x128xi32, #tpu.memory_space<vmem>> -> memref<128xi32, #tpu.memory_space<vmem>>
    %dma_start3A_818 = arith.constant 0 : i32
    %dma_start3A_819 = arith.constant 0 : i32
    %dma_start3A_820 = tpu.memref_slice %arg4[%dma_start3A_818, %dma_start3A_819] : memref<1000000x32xf32, #tpu.memory_space<hbm>> -> memref<1000000x32xf32, #tpu.memory_space<hbm>>
    tpu.enqueue_indirect_dma source(%dma_start3A_820 : memref<1000000x32xf32, #tpu.memory_space<hbm>>) target(%dma_start3A_814 : memref<128x32xf32, #tpu.memory_space<vmem>>) offsets(%dma_start3A_817 : memref<128xi32, #tpu.memory_space<vmem>>) semaphore(%arg13 : memref<!tpu.dma_semaphore, #tpu.memory_space<semaphore_mem>>)
    %dma_start3A_821 = arith.constant 1 : i32
    %dma_start3A_822 = arith.constant 128 : i32
    %dma_start3A_823 = arith.constant 0 : i32
    %dma_start3A_824 = tpu.memref_slice %arg12[%dma_start3A_822, %dma_start3A_823] : memref<512x32xf32, #tpu.memory_space<vmem>> -> memref<128x32xf32, #tpu.memory_space<vmem>>
    %dma_start3A_825 = arith.constant 0 : i32
    %dma_start3A_826 = tpu.memref_slice %arg8[%dma_start3A_821, %dma_start3A_825] : memref<4x128xi32, #tpu.memory_space<vmem>> -> memref<1x128xi32, #tpu.memory_space<vmem>>
    %dma_start3A_827 = tpu.memref_squeeze %dma_start3A_826 : memref<1x128xi32, #tpu.memory_space<vmem>> -> memref<128xi32, #tpu.memory_space<vmem>>
    %dma_start3A_828 = arith.constant 0 : i32
    %dma_start3A_829 = arith.constant 0 : i32
    %dma_start3A_830 = tpu.memref_slice %arg5[%dma_start3A_828, %dma_start3A_829] : memref<100000x32xf32, #tpu.memory_space<hbm>> -> memref<100000x32xf32, #tpu.memory_space<hbm>>
    tpu.enqueue_indirect_dma source(%dma_start3A_830 : memref<100000x32xf32, #tpu.memory_space<hbm>>) target(%dma_start3A_824 : memref<128x32xf32, #tpu.memory_space<vmem>>) offsets(%dma_start3A_827 : memref<128xi32, #tpu.memory_space<vmem>>) semaphore(%arg13 : memref<!tpu.dma_semaphore, #tpu.memory_space<semaphore_mem>>)
    %dma_start3A_831 = arith.constant 2 : i32
    %dma_start3A_832 = arith.constant 256 : i32
    %dma_start3A_833 = arith.constant 0 : i32
    %dma_start3A_834 = tpu.memref_slice %arg11[%dma_start3A_832, %dma_start3A_833] : memref<512x32xf32, #tpu.memory_space<vmem>> -> memref<128x32xf32, #tpu.memory_space<vmem>>
    %dma_start3A_835 = arith.constant 0 : i32
    %dma_start3A_836 = tpu.memref_slice %arg7[%dma_start3A_831, %dma_start3A_835] : memref<4x128xi32, #tpu.memory_space<vmem>> -> memref<1x128xi32, #tpu.memory_space<vmem>>
    %dma_start3A_837 = tpu.memref_squeeze %dma_start3A_836 : memref<1x128xi32, #tpu.memory_space<vmem>> -> memref<128xi32, #tpu.memory_space<vmem>>
    %dma_start3A_838 = arith.constant 0 : i32
    %dma_start3A_839 = arith.constant 0 : i32
    %dma_start3A_840 = tpu.memref_slice %arg4[%dma_start3A_838, %dma_start3A_839] : memref<1000000x32xf32, #tpu.memory_space<hbm>> -> memref<1000000x32xf32, #tpu.memory_space<hbm>>
    tpu.enqueue_indirect_dma source(%dma_start3A_840 : memref<1000000x32xf32, #tpu.memory_space<hbm>>) target(%dma_start3A_834 : memref<128x32xf32, #tpu.memory_space<vmem>>) offsets(%dma_start3A_837 : memref<128xi32, #tpu.memory_space<vmem>>) semaphore(%arg13 : memref<!tpu.dma_semaphore, #tpu.memory_space<semaphore_mem>>)
    %dma_start3A_841 = arith.constant 2 : i32
    %dma_start3A_842 = arith.constant 256 : i32
    %dma_start3A_843 = arith.constant 0 : i32
    %dma_start3A_844 = tpu.memref_slice %arg12[%dma_start3A_842, %dma_start3A_843] : memref<512x32xf32, #tpu.memory_space<vmem>> -> memref<128x32xf32, #tpu.memory_space<vmem>>
    %dma_start3A_845 = arith.constant 0 : i32
    %dma_start3A_846 = tpu.memref_slice %arg8[%dma_start3A_841, %dma_start3A_845] : memref<4x128xi32, #tpu.memory_space<vmem>> -> memref<1x128xi32, #tpu.memory_space<vmem>>
    %dma_start3A_847 = tpu.memref_squeeze %dma_start3A_846 : memref<1x128xi32, #tpu.memory_space<vmem>> -> memref<128xi32, #tpu.memory_space<vmem>>
    %dma_start3A_848 = arith.constant 0 : i32
    %dma_start3A_849 = arith.constant 0 : i32
    %dma_start3A_850 = tpu.memref_slice %arg5[%dma_start3A_848, %dma_start3A_849] : memref<100000x32xf32, #tpu.memory_space<hbm>> -> memref<100000x32xf32, #tpu.memory_space<hbm>>
    tpu.enqueue_indirect_dma source(%dma_start3A_850 : memref<100000x32xf32, #tpu.memory_space<hbm>>) target(%dma_start3A_844 : memref<128x32xf32, #tpu.memory_space<vmem>>) offsets(%dma_start3A_847 : memref<128xi32, #tpu.memory_space<vmem>>) semaphore(%arg13 : memref<!tpu.dma_semaphore, #tpu.memory_space<semaphore_mem>>)
    %dma_start3A_851 = arith.constant 3 : i32
    %dma_start3A_852 = arith.constant 384 : i32
    %dma_start3A_853 = arith.constant 0 : i32
    %dma_start3A_854 = tpu.memref_slice %arg11[%dma_start3A_852, %dma_start3A_853] : memref<512x32xf32, #tpu.memory_space<vmem>> -> memref<128x32xf32, #tpu.memory_space<vmem>>
    %dma_start3A_855 = arith.constant 0 : i32
    %dma_start3A_856 = tpu.memref_slice %arg7[%dma_start3A_851, %dma_start3A_855] : memref<4x128xi32, #tpu.memory_space<vmem>> -> memref<1x128xi32, #tpu.memory_space<vmem>>
    %dma_start3A_857 = tpu.memref_squeeze %dma_start3A_856 : memref<1x128xi32, #tpu.memory_space<vmem>> -> memref<128xi32, #tpu.memory_space<vmem>>
    %dma_start3A_858 = arith.constant 0 : i32
    %dma_start3A_859 = arith.constant 0 : i32
    %dma_start3A_860 = tpu.memref_slice %arg4[%dma_start3A_858, %dma_start3A_859] : memref<1000000x32xf32, #tpu.memory_space<hbm>> -> memref<1000000x32xf32, #tpu.memory_space<hbm>>
    tpu.enqueue_indirect_dma source(%dma_start3A_860 : memref<1000000x32xf32, #tpu.memory_space<hbm>>) target(%dma_start3A_854 : memref<128x32xf32, #tpu.memory_space<vmem>>) offsets(%dma_start3A_857 : memref<128xi32, #tpu.memory_space<vmem>>) semaphore(%arg13 : memref<!tpu.dma_semaphore, #tpu.memory_space<semaphore_mem>>)
    %dma_start3A_861 = arith.constant 3 : i32
    %dma_start3A_862 = arith.constant 384 : i32
    %dma_start3A_863 = arith.constant 0 : i32
    %dma_start3A_864 = tpu.memref_slice %arg12[%dma_start3A_862, %dma_start3A_863] : memref<512x32xf32, #tpu.memory_space<vmem>> -> memref<128x32xf32, #tpu.memory_space<vmem>>
    %dma_start3A_865 = arith.constant 0 : i32
    %dma_start3A_866 = tpu.memref_slice %arg8[%dma_start3A_861, %dma_start3A_865] : memref<4x128xi32, #tpu.memory_space<vmem>> -> memref<1x128xi32, #tpu.memory_space<vmem>>
    %dma_start3A_867 = tpu.memref_squeeze %dma_start3A_866 : memref<1x128xi32, #tpu.memory_space<vmem>> -> memref<128xi32, #tpu.memory_space<vmem>>
    %dma_start3A_868 = arith.constant 0 : i32
    %dma_start3A_869 = arith.constant 0 : i32
    %dma_start3A_870 = tpu.memref_slice %arg5[%dma_start3A_868, %dma_start3A_869] : memref<100000x32xf32, #tpu.memory_space<hbm>> -> memref<100000x32xf32, #tpu.memory_space<hbm>>
    tpu.enqueue_indirect_dma source(%dma_start3A_870 : memref<100000x32xf32, #tpu.memory_space<hbm>>) target(%dma_start3A_864 : memref<128x32xf32, #tpu.memory_space<vmem>>) offsets(%dma_start3A_867 : memref<128xi32, #tpu.memory_space<vmem>>) semaphore(%arg13 : memref<!tpu.dma_semaphore, #tpu.memory_space<semaphore_mem>>)
    %dma_wait3A_871 = arith.constant 0 : i32
    %dma_wait3A_872 = arith.constant 0 : i32
    %dma_wait3A_873 = arith.constant 0 : i32
    %dma_wait3A_874 = tpu.memref_slice %arg11[%dma_wait3A_872, %dma_wait3A_873] : memref<512x32xf32, #tpu.memory_space<vmem>> -> memref<128x32xf32, #tpu.memory_space<vmem>>
    %dma_wait3A_875 = arith.constant 0 : i32
    %dma_wait3A_876 = tpu.memref_slice %arg7[%dma_wait3A_871, %dma_wait3A_875] : memref<4x128xi32, #tpu.memory_space<vmem>> -> memref<1x128xi32, #tpu.memory_space<vmem>>
    %dma_wait3A_877 = tpu.memref_squeeze %dma_wait3A_876 : memref<1x128xi32, #tpu.memory_space<vmem>> -> memref<128xi32, #tpu.memory_space<vmem>>
    %dma_wait3A_878 = arith.constant 0 : i32
    %dma_wait3A_879 = arith.constant 0 : i32
    %dma_wait3A_880 = tpu.memref_slice %arg4[%dma_wait3A_878, %dma_wait3A_879] : memref<1000000x32xf32, #tpu.memory_space<hbm>> -> memref<1000000x32xf32, #tpu.memory_space<hbm>>
    tpu.wait_indirect_dma semaphore(%arg13 : memref<!tpu.dma_semaphore, #tpu.memory_space<semaphore_mem>>) src(%dma_wait3A_880 : memref<1000000x32xf32, #tpu.memory_space<hbm>>) dst(%dma_wait3A_874 : memref<128x32xf32, #tpu.memory_space<vmem>>)
    %dma_wait3A_881 = arith.constant 0 : i32
    %dma_wait3A_882 = arith.constant 0 : i32
    %dma_wait3A_883 = arith.constant 0 : i32
    %dma_wait3A_884 = tpu.memref_slice %arg12[%dma_wait3A_882, %dma_wait3A_883] : memref<512x32xf32, #tpu.memory_space<vmem>> -> memref<128x32xf32, #tpu.memory_space<vmem>>
    %dma_wait3A_885 = arith.constant 0 : i32
    %dma_wait3A_886 = tpu.memref_slice %arg8[%dma_wait3A_881, %dma_wait3A_885] : memref<4x128xi32, #tpu.memory_space<vmem>> -> memref<1x128xi32, #tpu.memory_space<vmem>>
    %dma_wait3A_887 = tpu.memref_squeeze %dma_wait3A_886 : memref<1x128xi32, #tpu.memory_space<vmem>> -> memref<128xi32, #tpu.memory_space<vmem>>
    %dma_wait3A_888 = arith.constant 0 : i32
    %dma_wait3A_889 = arith.constant 0 : i32
    %dma_wait3A_890 = tpu.memref_slice %arg5[%dma_wait3A_888, %dma_wait3A_889] : memref<100000x32xf32, #tpu.memory_space<hbm>> -> memref<100000x32xf32, #tpu.memory_space<hbm>>
    tpu.wait_indirect_dma semaphore(%arg13 : memref<!tpu.dma_semaphore, #tpu.memory_space<semaphore_mem>>) src(%dma_wait3A_890 : memref<100000x32xf32, #tpu.memory_space<hbm>>) dst(%dma_wait3A_884 : memref<128x32xf32, #tpu.memory_space<vmem>>)
    %dma_wait3A_891 = arith.constant 1 : i32
    %dma_wait3A_892 = arith.constant 128 : i32
    %dma_wait3A_893 = arith.constant 0 : i32
    %dma_wait3A_894 = tpu.memref_slice %arg11[%dma_wait3A_892, %dma_wait3A_893] : memref<512x32xf32, #tpu.memory_space<vmem>> -> memref<128x32xf32, #tpu.memory_space<vmem>>
    %dma_wait3A_895 = arith.constant 0 : i32
    %dma_wait3A_896 = tpu.memref_slice %arg7[%dma_wait3A_891, %dma_wait3A_895] : memref<4x128xi32, #tpu.memory_space<vmem>> -> memref<1x128xi32, #tpu.memory_space<vmem>>
    %dma_wait3A_897 = tpu.memref_squeeze %dma_wait3A_896 : memref<1x128xi32, #tpu.memory_space<vmem>> -> memref<128xi32, #tpu.memory_space<vmem>>
    %dma_wait3A_898 = arith.constant 0 : i32
    %dma_wait3A_899 = arith.constant 0 : i32
    %dma_wait3A_900 = tpu.memref_slice %arg4[%dma_wait3A_898, %dma_wait3A_899] : memref<1000000x32xf32, #tpu.memory_space<hbm>> -> memref<1000000x32xf32, #tpu.memory_space<hbm>>
    tpu.wait_indirect_dma semaphore(%arg13 : memref<!tpu.dma_semaphore, #tpu.memory_space<semaphore_mem>>) src(%dma_wait3A_900 : memref<1000000x32xf32, #tpu.memory_space<hbm>>) dst(%dma_wait3A_894 : memref<128x32xf32, #tpu.memory_space<vmem>>)
    %dma_wait3A_901 = arith.constant 1 : i32
    %dma_wait3A_902 = arith.constant 128 : i32
    %dma_wait3A_903 = arith.constant 0 : i32
    %dma_wait3A_904 = tpu.memref_slice %arg12[%dma_wait3A_902, %dma_wait3A_903] : memref<512x32xf32, #tpu.memory_space<vmem>> -> memref<128x32xf32, #tpu.memory_space<vmem>>
    %dma_wait3A_905 = arith.constant 0 : i32
    %dma_wait3A_906 = tpu.memref_slice %arg8[%dma_wait3A_901, %dma_wait3A_905] : memref<4x128xi32, #tpu.memory_space<vmem>> -> memref<1x128xi32, #tpu.memory_space<vmem>>
    %dma_wait3A_907 = tpu.memref_squeeze %dma_wait3A_906 : memref<1x128xi32, #tpu.memory_space<vmem>> -> memref<128xi32, #tpu.memory_space<vmem>>
    %dma_wait3A_908 = arith.constant 0 : i32
    %dma_wait3A_909 = arith.constant 0 : i32
    %dma_wait3A_910 = tpu.memref_slice %arg5[%dma_wait3A_908, %dma_wait3A_909] : memref<100000x32xf32, #tpu.memory_space<hbm>> -> memref<100000x32xf32, #tpu.memory_space<hbm>>
    tpu.wait_indirect_dma semaphore(%arg13 : memref<!tpu.dma_semaphore, #tpu.memory_space<semaphore_mem>>) src(%dma_wait3A_910 : memref<100000x32xf32, #tpu.memory_space<hbm>>) dst(%dma_wait3A_904 : memref<128x32xf32, #tpu.memory_space<vmem>>)
    %dma_wait3A_911 = arith.constant 2 : i32
    %dma_wait3A_912 = arith.constant 256 : i32
    %dma_wait3A_913 = arith.constant 0 : i32
    %dma_wait3A_914 = tpu.memref_slice %arg11[%dma_wait3A_912, %dma_wait3A_913] : memref<512x32xf32, #tpu.memory_space<vmem>> -> memref<128x32xf32, #tpu.memory_space<vmem>>
    %dma_wait3A_915 = arith.constant 0 : i32
    %dma_wait3A_916 = tpu.memref_slice %arg7[%dma_wait3A_911, %dma_wait3A_915] : memref<4x128xi32, #tpu.memory_space<vmem>> -> memref<1x128xi32, #tpu.memory_space<vmem>>
    %dma_wait3A_917 = tpu.memref_squeeze %dma_wait3A_916 : memref<1x128xi32, #tpu.memory_space<vmem>> -> memref<128xi32, #tpu.memory_space<vmem>>
    %dma_wait3A_918 = arith.constant 0 : i32
    %dma_wait3A_919 = arith.constant 0 : i32
    %dma_wait3A_920 = tpu.memref_slice %arg4[%dma_wait3A_918, %dma_wait3A_919] : memref<1000000x32xf32, #tpu.memory_space<hbm>> -> memref<1000000x32xf32, #tpu.memory_space<hbm>>
    tpu.wait_indirect_dma semaphore(%arg13 : memref<!tpu.dma_semaphore, #tpu.memory_space<semaphore_mem>>) src(%dma_wait3A_920 : memref<1000000x32xf32, #tpu.memory_space<hbm>>) dst(%dma_wait3A_914 : memref<128x32xf32, #tpu.memory_space<vmem>>)
    %dma_wait3A_921 = arith.constant 2 : i32
    %dma_wait3A_922 = arith.constant 256 : i32
    %dma_wait3A_923 = arith.constant 0 : i32
    %dma_wait3A_924 = tpu.memref_slice %arg12[%dma_wait3A_922, %dma_wait3A_923] : memref<512x32xf32, #tpu.memory_space<vmem>> -> memref<128x32xf32, #tpu.memory_space<vmem>>
    %dma_wait3A_925 = arith.constant 0 : i32
    %dma_wait3A_926 = tpu.memref_slice %arg8[%dma_wait3A_921, %dma_wait3A_925] : memref<4x128xi32, #tpu.memory_space<vmem>> -> memref<1x128xi32, #tpu.memory_space<vmem>>
    %dma_wait3A_927 = tpu.memref_squeeze %dma_wait3A_926 : memref<1x128xi32, #tpu.memory_space<vmem>> -> memref<128xi32, #tpu.memory_space<vmem>>
    %dma_wait3A_928 = arith.constant 0 : i32
    %dma_wait3A_929 = arith.constant 0 : i32
    %dma_wait3A_930 = tpu.memref_slice %arg5[%dma_wait3A_928, %dma_wait3A_929] : memref<100000x32xf32, #tpu.memory_space<hbm>> -> memref<100000x32xf32, #tpu.memory_space<hbm>>
    tpu.wait_indirect_dma semaphore(%arg13 : memref<!tpu.dma_semaphore, #tpu.memory_space<semaphore_mem>>) src(%dma_wait3A_930 : memref<100000x32xf32, #tpu.memory_space<hbm>>) dst(%dma_wait3A_924 : memref<128x32xf32, #tpu.memory_space<vmem>>)
    %dma_wait3A_931 = arith.constant 3 : i32
    %dma_wait3A_932 = arith.constant 384 : i32
    %dma_wait3A_933 = arith.constant 0 : i32
    %dma_wait3A_934 = tpu.memref_slice %arg11[%dma_wait3A_932, %dma_wait3A_933] : memref<512x32xf32, #tpu.memory_space<vmem>> -> memref<128x32xf32, #tpu.memory_space<vmem>>
    %dma_wait3A_935 = arith.constant 0 : i32
    %dma_wait3A_936 = tpu.memref_slice %arg7[%dma_wait3A_931, %dma_wait3A_935] : memref<4x128xi32, #tpu.memory_space<vmem>> -> memref<1x128xi32, #tpu.memory_space<vmem>>
    %dma_wait3A_937 = tpu.memref_squeeze %dma_wait3A_936 : memref<1x128xi32, #tpu.memory_space<vmem>> -> memref<128xi32, #tpu.memory_space<vmem>>
    %dma_wait3A_938 = arith.constant 0 : i32
    %dma_wait3A_939 = arith.constant 0 : i32
    %dma_wait3A_940 = tpu.memref_slice %arg4[%dma_wait3A_938, %dma_wait3A_939] : memref<1000000x32xf32, #tpu.memory_space<hbm>> -> memref<1000000x32xf32, #tpu.memory_space<hbm>>
    tpu.wait_indirect_dma semaphore(%arg13 : memref<!tpu.dma_semaphore, #tpu.memory_space<semaphore_mem>>) src(%dma_wait3A_940 : memref<1000000x32xf32, #tpu.memory_space<hbm>>) dst(%dma_wait3A_934 : memref<128x32xf32, #tpu.memory_space<vmem>>)
    %dma_wait3A_941 = arith.constant 3 : i32
    %dma_wait3A_942 = arith.constant 384 : i32
    %dma_wait3A_943 = arith.constant 0 : i32
    %dma_wait3A_944 = tpu.memref_slice %arg12[%dma_wait3A_942, %dma_wait3A_943] : memref<512x32xf32, #tpu.memory_space<vmem>> -> memref<128x32xf32, #tpu.memory_space<vmem>>
    %dma_wait3A_945 = arith.constant 0 : i32
    %dma_wait3A_946 = tpu.memref_slice %arg8[%dma_wait3A_941, %dma_wait3A_945] : memref<4x128xi32, #tpu.memory_space<vmem>> -> memref<1x128xi32, #tpu.memory_space<vmem>>
    %dma_wait3A_947 = tpu.memref_squeeze %dma_wait3A_946 : memref<1x128xi32, #tpu.memory_space<vmem>> -> memref<128xi32, #tpu.memory_space<vmem>>
    %dma_wait3A_948 = arith.constant 0 : i32
    %dma_wait3A_949 = arith.constant 0 : i32
    %dma_wait3A_950 = tpu.memref_slice %arg5[%dma_wait3A_948, %dma_wait3A_949] : memref<100000x32xf32, #tpu.memory_space<hbm>> -> memref<100000x32xf32, #tpu.memory_space<hbm>>
    tpu.wait_indirect_dma semaphore(%arg13 : memref<!tpu.dma_semaphore, #tpu.memory_space<semaphore_mem>>) src(%dma_wait3A_950 : memref<100000x32xf32, #tpu.memory_space<hbm>>) dst(%dma_wait3A_944 : memref<128x32xf32, #tpu.memory_space<vmem>>)
    %dma_start3A_951 = arith.constant 0 : i32
    %dma_start3A_952 = arith.constant 0 : i32
    %dma_start3A_953 = arith.constant 0 : i32
    %dma_start3A_954 = tpu.memref_slice %arg11[%dma_start3A_952, %dma_start3A_953] : memref<512x32xf32, #tpu.memory_space<vmem>> -> memref<128x32xf32, #tpu.memory_space<vmem>>
    %dma_start3A_955 = arith.constant 0 : i32
    %dma_start3A_956 = tpu.memref_slice %arg9[%dma_start3A_951, %dma_start3A_955] : memref<4x128xi32, #tpu.memory_space<vmem>> -> memref<1x128xi32, #tpu.memory_space<vmem>>
    %dma_start3A_957 = tpu.memref_squeeze %dma_start3A_956 : memref<1x128xi32, #tpu.memory_space<vmem>> -> memref<128xi32, #tpu.memory_space<vmem>>
    %dma_start3A_958 = arith.constant 0 : i32
    %dma_start3A_959 = arith.constant 0 : i32
    %dma_start3A_960 = tpu.memref_slice %arg6[%dma_start3A_958, %dma_start3A_959] : memref<32768x32xf32, #tpu.memory_space<hbm>> -> memref<32768x32xf32, #tpu.memory_space<hbm>>
    tpu.enqueue_indirect_dma source(%dma_start3A_954 : memref<128x32xf32, #tpu.memory_space<vmem>>) target(%dma_start3A_960 : memref<32768x32xf32, #tpu.memory_space<hbm>>) offsets(%dma_start3A_957 : memref<128xi32, #tpu.memory_space<vmem>>) semaphore(%arg13 : memref<!tpu.dma_semaphore, #tpu.memory_space<semaphore_mem>>)
    %dma_start3A_961 = arith.constant 0 : i32
    %dma_start3A_962 = arith.constant 0 : i32
    %dma_start3A_963 = arith.constant 0 : i32
    %dma_start3A_964 = tpu.memref_slice %arg12[%dma_start3A_962, %dma_start3A_963] : memref<512x32xf32, #tpu.memory_space<vmem>> -> memref<128x32xf32, #tpu.memory_space<vmem>>
    %dma_start3A_965 = arith.constant 0 : i32
    %dma_start3A_966 = tpu.memref_slice %arg10[%dma_start3A_961, %dma_start3A_965] : memref<4x128xi32, #tpu.memory_space<vmem>> -> memref<1x128xi32, #tpu.memory_space<vmem>>
    %dma_start3A_967 = tpu.memref_squeeze %dma_start3A_966 : memref<1x128xi32, #tpu.memory_space<vmem>> -> memref<128xi32, #tpu.memory_space<vmem>>
    %dma_start3A_968 = arith.constant 0 : i32
    %dma_start3A_969 = arith.constant 0 : i32
    %dma_start3A_970 = tpu.memref_slice %arg6[%dma_start3A_968, %dma_start3A_969] : memref<32768x32xf32, #tpu.memory_space<hbm>> -> memref<32768x32xf32, #tpu.memory_space<hbm>>
    tpu.enqueue_indirect_dma source(%dma_start3A_964 : memref<128x32xf32, #tpu.memory_space<vmem>>) target(%dma_start3A_970 : memref<32768x32xf32, #tpu.memory_space<hbm>>) offsets(%dma_start3A_967 : memref<128xi32, #tpu.memory_space<vmem>>) semaphore(%arg13 : memref<!tpu.dma_semaphore, #tpu.memory_space<semaphore_mem>>)
    %dma_start3A_971 = arith.constant 1 : i32
    %dma_start3A_972 = arith.constant 128 : i32
    %dma_start3A_973 = arith.constant 0 : i32
    %dma_start3A_974 = tpu.memref_slice %arg11[%dma_start3A_972, %dma_start3A_973] : memref<512x32xf32, #tpu.memory_space<vmem>> -> memref<128x32xf32, #tpu.memory_space<vmem>>
    %dma_start3A_975 = arith.constant 0 : i32
    %dma_start3A_976 = tpu.memref_slice %arg9[%dma_start3A_971, %dma_start3A_975] : memref<4x128xi32, #tpu.memory_space<vmem>> -> memref<1x128xi32, #tpu.memory_space<vmem>>
    %dma_start3A_977 = tpu.memref_squeeze %dma_start3A_976 : memref<1x128xi32, #tpu.memory_space<vmem>> -> memref<128xi32, #tpu.memory_space<vmem>>
    %dma_start3A_978 = arith.constant 0 : i32
    %dma_start3A_979 = arith.constant 0 : i32
    %dma_start3A_980 = tpu.memref_slice %arg6[%dma_start3A_978, %dma_start3A_979] : memref<32768x32xf32, #tpu.memory_space<hbm>> -> memref<32768x32xf32, #tpu.memory_space<hbm>>
    tpu.enqueue_indirect_dma source(%dma_start3A_974 : memref<128x32xf32, #tpu.memory_space<vmem>>) target(%dma_start3A_980 : memref<32768x32xf32, #tpu.memory_space<hbm>>) offsets(%dma_start3A_977 : memref<128xi32, #tpu.memory_space<vmem>>) semaphore(%arg13 : memref<!tpu.dma_semaphore, #tpu.memory_space<semaphore_mem>>)
    %dma_start3A_981 = arith.constant 1 : i32
    %dma_start3A_982 = arith.constant 128 : i32
    %dma_start3A_983 = arith.constant 0 : i32
    %dma_start3A_984 = tpu.memref_slice %arg12[%dma_start3A_982, %dma_start3A_983] : memref<512x32xf32, #tpu.memory_space<vmem>> -> memref<128x32xf32, #tpu.memory_space<vmem>>
    %dma_start3A_985 = arith.constant 0 : i32
    %dma_start3A_986 = tpu.memref_slice %arg10[%dma_start3A_981, %dma_start3A_985] : memref<4x128xi32, #tpu.memory_space<vmem>> -> memref<1x128xi32, #tpu.memory_space<vmem>>
    %dma_start3A_987 = tpu.memref_squeeze %dma_start3A_986 : memref<1x128xi32, #tpu.memory_space<vmem>> -> memref<128xi32, #tpu.memory_space<vmem>>
    %dma_start3A_988 = arith.constant 0 : i32
    %dma_start3A_989 = arith.constant 0 : i32
    %dma_start3A_990 = tpu.memref_slice %arg6[%dma_start3A_988, %dma_start3A_989] : memref<32768x32xf32, #tpu.memory_space<hbm>> -> memref<32768x32xf32, #tpu.memory_space<hbm>>
    tpu.enqueue_indirect_dma source(%dma_start3A_984 : memref<128x32xf32, #tpu.memory_space<vmem>>) target(%dma_start3A_990 : memref<32768x32xf32, #tpu.memory_space<hbm>>) offsets(%dma_start3A_987 : memref<128xi32, #tpu.memory_space<vmem>>) semaphore(%arg13 : memref<!tpu.dma_semaphore, #tpu.memory_space<semaphore_mem>>)
    %dma_start3A_991 = arith.constant 2 : i32
    %dma_start3A_992 = arith.constant 256 : i32
    %dma_start3A_993 = arith.constant 0 : i32
    %dma_start3A_994 = tpu.memref_slice %arg11[%dma_start3A_992, %dma_start3A_993] : memref<512x32xf32, #tpu.memory_space<vmem>> -> memref<128x32xf32, #tpu.memory_space<vmem>>
    %dma_start3A_995 = arith.constant 0 : i32
    %dma_start3A_996 = tpu.memref_slice %arg9[%dma_start3A_991, %dma_start3A_995] : memref<4x128xi32, #tpu.memory_space<vmem>> -> memref<1x128xi32, #tpu.memory_space<vmem>>
    %dma_start3A_997 = tpu.memref_squeeze %dma_start3A_996 : memref<1x128xi32, #tpu.memory_space<vmem>> -> memref<128xi32, #tpu.memory_space<vmem>>
    %dma_start3A_998 = arith.constant 0 : i32
    %dma_start3A_999 = arith.constant 0 : i32
    %dma_start3A_1000 = tpu.memref_slice %arg6[%dma_start3A_998, %dma_start3A_999] : memref<32768x32xf32, #tpu.memory_space<hbm>> -> memref<32768x32xf32, #tpu.memory_space<hbm>>
    tpu.enqueue_indirect_dma source(%dma_start3A_994 : memref<128x32xf32, #tpu.memory_space<vmem>>) target(%dma_start3A_1000 : memref<32768x32xf32, #tpu.memory_space<hbm>>) offsets(%dma_start3A_997 : memref<128xi32, #tpu.memory_space<vmem>>) semaphore(%arg13 : memref<!tpu.dma_semaphore, #tpu.memory_space<semaphore_mem>>)
    %dma_start3A_1001 = arith.constant 2 : i32
    %dma_start3A_1002 = arith.constant 256 : i32
    %dma_start3A_1003 = arith.constant 0 : i32
    %dma_start3A_1004 = tpu.memref_slice %arg12[%dma_start3A_1002, %dma_start3A_1003] : memref<512x32xf32, #tpu.memory_space<vmem>> -> memref<128x32xf32, #tpu.memory_space<vmem>>
    %dma_start3A_1005 = arith.constant 0 : i32
    %dma_start3A_1006 = tpu.memref_slice %arg10[%dma_start3A_1001, %dma_start3A_1005] : memref<4x128xi32, #tpu.memory_space<vmem>> -> memref<1x128xi32, #tpu.memory_space<vmem>>
    %dma_start3A_1007 = tpu.memref_squeeze %dma_start3A_1006 : memref<1x128xi32, #tpu.memory_space<vmem>> -> memref<128xi32, #tpu.memory_space<vmem>>
    %dma_start3A_1008 = arith.constant 0 : i32
    %dma_start3A_1009 = arith.constant 0 : i32
    %dma_start3A_1010 = tpu.memref_slice %arg6[%dma_start3A_1008, %dma_start3A_1009] : memref<32768x32xf32, #tpu.memory_space<hbm>> -> memref<32768x32xf32, #tpu.memory_space<hbm>>
    tpu.enqueue_indirect_dma source(%dma_start3A_1004 : memref<128x32xf32, #tpu.memory_space<vmem>>) target(%dma_start3A_1010 : memref<32768x32xf32, #tpu.memory_space<hbm>>) offsets(%dma_start3A_1007 : memref<128xi32, #tpu.memory_space<vmem>>) semaphore(%arg13 : memref<!tpu.dma_semaphore, #tpu.memory_space<semaphore_mem>>)
    %dma_start3A_1011 = arith.constant 3 : i32
    %dma_start3A_1012 = arith.constant 384 : i32
    %dma_start3A_1013 = arith.constant 0 : i32
    %dma_start3A_1014 = tpu.memref_slice %arg11[%dma_start3A_1012, %dma_start3A_1013] : memref<512x32xf32, #tpu.memory_space<vmem>> -> memref<128x32xf32, #tpu.memory_space<vmem>>
    %dma_start3A_1015 = arith.constant 0 : i32
    %dma_start3A_1016 = tpu.memref_slice %arg9[%dma_start3A_1011, %dma_start3A_1015] : memref<4x128xi32, #tpu.memory_space<vmem>> -> memref<1x128xi32, #tpu.memory_space<vmem>>
    %dma_start3A_1017 = tpu.memref_squeeze %dma_start3A_1016 : memref<1x128xi32, #tpu.memory_space<vmem>> -> memref<128xi32, #tpu.memory_space<vmem>>
    %dma_start3A_1018 = arith.constant 0 : i32
    %dma_start3A_1019 = arith.constant 0 : i32
    %dma_start3A_1020 = tpu.memref_slice %arg6[%dma_start3A_1018, %dma_start3A_1019] : memref<32768x32xf32, #tpu.memory_space<hbm>> -> memref<32768x32xf32, #tpu.memory_space<hbm>>
    tpu.enqueue_indirect_dma source(%dma_start3A_1014 : memref<128x32xf32, #tpu.memory_space<vmem>>) target(%dma_start3A_1020 : memref<32768x32xf32, #tpu.memory_space<hbm>>) offsets(%dma_start3A_1017 : memref<128xi32, #tpu.memory_space<vmem>>) semaphore(%arg13 : memref<!tpu.dma_semaphore, #tpu.memory_space<semaphore_mem>>)
    %dma_start3A_1021 = arith.constant 3 : i32
    %dma_start3A_1022 = arith.constant 384 : i32
    %dma_start3A_1023 = arith.constant 0 : i32
    %dma_start3A_1024 = tpu.memref_slice %arg12[%dma_start3A_1022, %dma_start3A_1023] : memref<512x32xf32, #tpu.memory_space<vmem>> -> memref<128x32xf32, #tpu.memory_space<vmem>>
    %dma_start3A_1025 = arith.constant 0 : i32
    %dma_start3A_1026 = tpu.memref_slice %arg10[%dma_start3A_1021, %dma_start3A_1025] : memref<4x128xi32, #tpu.memory_space<vmem>> -> memref<1x128xi32, #tpu.memory_space<vmem>>
    %dma_start3A_1027 = tpu.memref_squeeze %dma_start3A_1026 : memref<1x128xi32, #tpu.memory_space<vmem>> -> memref<128xi32, #tpu.memory_space<vmem>>
    %dma_start3A_1028 = arith.constant 0 : i32
    %dma_start3A_1029 = arith.constant 0 : i32
    %dma_start3A_1030 = tpu.memref_slice %arg6[%dma_start3A_1028, %dma_start3A_1029] : memref<32768x32xf32, #tpu.memory_space<hbm>> -> memref<32768x32xf32, #tpu.memory_space<hbm>>
    tpu.enqueue_indirect_dma source(%dma_start3A_1024 : memref<128x32xf32, #tpu.memory_space<vmem>>) target(%dma_start3A_1030 : memref<32768x32xf32, #tpu.memory_space<hbm>>) offsets(%dma_start3A_1027 : memref<128xi32, #tpu.memory_space<vmem>>) semaphore(%arg13 : memref<!tpu.dma_semaphore, #tpu.memory_space<semaphore_mem>>)
    %dma_wait3A_1031 = arith.constant 0 : i32
    %dma_wait3A_1032 = arith.constant 0 : i32
    %dma_wait3A_1033 = arith.constant 0 : i32
    %dma_wait3A_1034 = tpu.memref_slice %arg11[%dma_wait3A_1032, %dma_wait3A_1033] : memref<512x32xf32, #tpu.memory_space<vmem>> -> memref<128x32xf32, #tpu.memory_space<vmem>>
    %dma_wait3A_1035 = arith.constant 0 : i32
    %dma_wait3A_1036 = tpu.memref_slice %arg9[%dma_wait3A_1031, %dma_wait3A_1035] : memref<4x128xi32, #tpu.memory_space<vmem>> -> memref<1x128xi32, #tpu.memory_space<vmem>>
    %dma_wait3A_1037 = tpu.memref_squeeze %dma_wait3A_1036 : memref<1x128xi32, #tpu.memory_space<vmem>> -> memref<128xi32, #tpu.memory_space<vmem>>
    %dma_wait3A_1038 = arith.constant 0 : i32
    %dma_wait3A_1039 = arith.constant 0 : i32
    %dma_wait3A_1040 = tpu.memref_slice %arg6[%dma_wait3A_1038, %dma_wait3A_1039] : memref<32768x32xf32, #tpu.memory_space<hbm>> -> memref<32768x32xf32, #tpu.memory_space<hbm>>
    tpu.wait_indirect_dma semaphore(%arg13 : memref<!tpu.dma_semaphore, #tpu.memory_space<semaphore_mem>>) src(%dma_wait3A_1034 : memref<128x32xf32, #tpu.memory_space<vmem>>) dst(%dma_wait3A_1040 : memref<32768x32xf32, #tpu.memory_space<hbm>>)
    %dma_wait3A_1041 = arith.constant 0 : i32
    %dma_wait3A_1042 = arith.constant 0 : i32
    %dma_wait3A_1043 = arith.constant 0 : i32
    %dma_wait3A_1044 = tpu.memref_slice %arg12[%dma_wait3A_1042, %dma_wait3A_1043] : memref<512x32xf32, #tpu.memory_space<vmem>> -> memref<128x32xf32, #tpu.memory_space<vmem>>
    %dma_wait3A_1045 = arith.constant 0 : i32
    %dma_wait3A_1046 = tpu.memref_slice %arg10[%dma_wait3A_1041, %dma_wait3A_1045] : memref<4x128xi32, #tpu.memory_space<vmem>> -> memref<1x128xi32, #tpu.memory_space<vmem>>
    %dma_wait3A_1047 = tpu.memref_squeeze %dma_wait3A_1046 : memref<1x128xi32, #tpu.memory_space<vmem>> -> memref<128xi32, #tpu.memory_space<vmem>>
    %dma_wait3A_1048 = arith.constant 0 : i32
    %dma_wait3A_1049 = arith.constant 0 : i32
    %dma_wait3A_1050 = tpu.memref_slice %arg6[%dma_wait3A_1048, %dma_wait3A_1049] : memref<32768x32xf32, #tpu.memory_space<hbm>> -> memref<32768x32xf32, #tpu.memory_space<hbm>>
    tpu.wait_indirect_dma semaphore(%arg13 : memref<!tpu.dma_semaphore, #tpu.memory_space<semaphore_mem>>) src(%dma_wait3A_1044 : memref<128x32xf32, #tpu.memory_space<vmem>>) dst(%dma_wait3A_1050 : memref<32768x32xf32, #tpu.memory_space<hbm>>)
    %dma_wait3A_1051 = arith.constant 1 : i32
    %dma_wait3A_1052 = arith.constant 128 : i32
    %dma_wait3A_1053 = arith.constant 0 : i32
    %dma_wait3A_1054 = tpu.memref_slice %arg11[%dma_wait3A_1052, %dma_wait3A_1053] : memref<512x32xf32, #tpu.memory_space<vmem>> -> memref<128x32xf32, #tpu.memory_space<vmem>>
    %dma_wait3A_1055 = arith.constant 0 : i32
    %dma_wait3A_1056 = tpu.memref_slice %arg9[%dma_wait3A_1051, %dma_wait3A_1055] : memref<4x128xi32, #tpu.memory_space<vmem>> -> memref<1x128xi32, #tpu.memory_space<vmem>>
    %dma_wait3A_1057 = tpu.memref_squeeze %dma_wait3A_1056 : memref<1x128xi32, #tpu.memory_space<vmem>> -> memref<128xi32, #tpu.memory_space<vmem>>
    %dma_wait3A_1058 = arith.constant 0 : i32
    %dma_wait3A_1059 = arith.constant 0 : i32
    %dma_wait3A_1060 = tpu.memref_slice %arg6[%dma_wait3A_1058, %dma_wait3A_1059] : memref<32768x32xf32, #tpu.memory_space<hbm>> -> memref<32768x32xf32, #tpu.memory_space<hbm>>
    tpu.wait_indirect_dma semaphore(%arg13 : memref<!tpu.dma_semaphore, #tpu.memory_space<semaphore_mem>>) src(%dma_wait3A_1054 : memref<128x32xf32, #tpu.memory_space<vmem>>) dst(%dma_wait3A_1060 : memref<32768x32xf32, #tpu.memory_space<hbm>>)
    %dma_wait3A_1061 = arith.constant 1 : i32
    %dma_wait3A_1062 = arith.constant 128 : i32
    %dma_wait3A_1063 = arith.constant 0 : i32
    %dma_wait3A_1064 = tpu.memref_slice %arg12[%dma_wait3A_1062, %dma_wait3A_1063] : memref<512x32xf32, #tpu.memory_space<vmem>> -> memref<128x32xf32, #tpu.memory_space<vmem>>
    %dma_wait3A_1065 = arith.constant 0 : i32
    %dma_wait3A_1066 = tpu.memref_slice %arg10[%dma_wait3A_1061, %dma_wait3A_1065] : memref<4x128xi32, #tpu.memory_space<vmem>> -> memref<1x128xi32, #tpu.memory_space<vmem>>
    %dma_wait3A_1067 = tpu.memref_squeeze %dma_wait3A_1066 : memref<1x128xi32, #tpu.memory_space<vmem>> -> memref<128xi32, #tpu.memory_space<vmem>>
    %dma_wait3A_1068 = arith.constant 0 : i32
    %dma_wait3A_1069 = arith.constant 0 : i32
    %dma_wait3A_1070 = tpu.memref_slice %arg6[%dma_wait3A_1068, %dma_wait3A_1069] : memref<32768x32xf32, #tpu.memory_space<hbm>> -> memref<32768x32xf32, #tpu.memory_space<hbm>>
    tpu.wait_indirect_dma semaphore(%arg13 : memref<!tpu.dma_semaphore, #tpu.memory_space<semaphore_mem>>) src(%dma_wait3A_1064 : memref<128x32xf32, #tpu.memory_space<vmem>>) dst(%dma_wait3A_1070 : memref<32768x32xf32, #tpu.memory_space<hbm>>)
    %dma_wait3A_1071 = arith.constant 2 : i32
    %dma_wait3A_1072 = arith.constant 256 : i32
    %dma_wait3A_1073 = arith.constant 0 : i32
    %dma_wait3A_1074 = tpu.memref_slice %arg11[%dma_wait3A_1072, %dma_wait3A_1073] : memref<512x32xf32, #tpu.memory_space<vmem>> -> memref<128x32xf32, #tpu.memory_space<vmem>>
    %dma_wait3A_1075 = arith.constant 0 : i32
    %dma_wait3A_1076 = tpu.memref_slice %arg9[%dma_wait3A_1071, %dma_wait3A_1075] : memref<4x128xi32, #tpu.memory_space<vmem>> -> memref<1x128xi32, #tpu.memory_space<vmem>>
    %dma_wait3A_1077 = tpu.memref_squeeze %dma_wait3A_1076 : memref<1x128xi32, #tpu.memory_space<vmem>> -> memref<128xi32, #tpu.memory_space<vmem>>
    %dma_wait3A_1078 = arith.constant 0 : i32
    %dma_wait3A_1079 = arith.constant 0 : i32
    %dma_wait3A_1080 = tpu.memref_slice %arg6[%dma_wait3A_1078, %dma_wait3A_1079] : memref<32768x32xf32, #tpu.memory_space<hbm>> -> memref<32768x32xf32, #tpu.memory_space<hbm>>
    tpu.wait_indirect_dma semaphore(%arg13 : memref<!tpu.dma_semaphore, #tpu.memory_space<semaphore_mem>>) src(%dma_wait3A_1074 : memref<128x32xf32, #tpu.memory_space<vmem>>) dst(%dma_wait3A_1080 : memref<32768x32xf32, #tpu.memory_space<hbm>>)
    %dma_wait3A_1081 = arith.constant 2 : i32
    %dma_wait3A_1082 = arith.constant 256 : i32
    %dma_wait3A_1083 = arith.constant 0 : i32
    %dma_wait3A_1084 = tpu.memref_slice %arg12[%dma_wait3A_1082, %dma_wait3A_1083] : memref<512x32xf32, #tpu.memory_space<vmem>> -> memref<128x32xf32, #tpu.memory_space<vmem>>
    %dma_wait3A_1085 = arith.constant 0 : i32
    %dma_wait3A_1086 = tpu.memref_slice %arg10[%dma_wait3A_1081, %dma_wait3A_1085] : memref<4x128xi32, #tpu.memory_space<vmem>> -> memref<1x128xi32, #tpu.memory_space<vmem>>
    %dma_wait3A_1087 = tpu.memref_squeeze %dma_wait3A_1086 : memref<1x128xi32, #tpu.memory_space<vmem>> -> memref<128xi32, #tpu.memory_space<vmem>>
    %dma_wait3A_1088 = arith.constant 0 : i32
    %dma_wait3A_1089 = arith.constant 0 : i32
    %dma_wait3A_1090 = tpu.memref_slice %arg6[%dma_wait3A_1088, %dma_wait3A_1089] : memref<32768x32xf32, #tpu.memory_space<hbm>> -> memref<32768x32xf32, #tpu.memory_space<hbm>>
    tpu.wait_indirect_dma semaphore(%arg13 : memref<!tpu.dma_semaphore, #tpu.memory_space<semaphore_mem>>) src(%dma_wait3A_1084 : memref<128x32xf32, #tpu.memory_space<vmem>>) dst(%dma_wait3A_1090 : memref<32768x32xf32, #tpu.memory_space<hbm>>)
    %dma_wait3A_1091 = arith.constant 3 : i32
    %dma_wait3A_1092 = arith.constant 384 : i32
    %dma_wait3A_1093 = arith.constant 0 : i32
    %dma_wait3A_1094 = tpu.memref_slice %arg11[%dma_wait3A_1092, %dma_wait3A_1093] : memref<512x32xf32, #tpu.memory_space<vmem>> -> memref<128x32xf32, #tpu.memory_space<vmem>>
    %dma_wait3A_1095 = arith.constant 0 : i32
    %dma_wait3A_1096 = tpu.memref_slice %arg9[%dma_wait3A_1091, %dma_wait3A_1095] : memref<4x128xi32, #tpu.memory_space<vmem>> -> memref<1x128xi32, #tpu.memory_space<vmem>>
    %dma_wait3A_1097 = tpu.memref_squeeze %dma_wait3A_1096 : memref<1x128xi32, #tpu.memory_space<vmem>> -> memref<128xi32, #tpu.memory_space<vmem>>
    %dma_wait3A_1098 = arith.constant 0 : i32
    %dma_wait3A_1099 = arith.constant 0 : i32
    %dma_wait3A_1100 = tpu.memref_slice %arg6[%dma_wait3A_1098, %dma_wait3A_1099] : memref<32768x32xf32, #tpu.memory_space<hbm>> -> memref<32768x32xf32, #tpu.memory_space<hbm>>
    tpu.wait_indirect_dma semaphore(%arg13 : memref<!tpu.dma_semaphore, #tpu.memory_space<semaphore_mem>>) src(%dma_wait3A_1094 : memref<128x32xf32, #tpu.memory_space<vmem>>) dst(%dma_wait3A_1100 : memref<32768x32xf32, #tpu.memory_space<hbm>>)
    %dma_wait3A_1101 = arith.constant 3 : i32
    %dma_wait3A_1102 = arith.constant 384 : i32
    %dma_wait3A_1103 = arith.constant 0 : i32
    %dma_wait3A_1104 = tpu.memref_slice %arg12[%dma_wait3A_1102, %dma_wait3A_1103] : memref<512x32xf32, #tpu.memory_space<vmem>> -> memref<128x32xf32, #tpu.memory_space<vmem>>
    %dma_wait3A_1105 = arith.constant 0 : i32
    %dma_wait3A_1106 = tpu.memref_slice %arg10[%dma_wait3A_1101, %dma_wait3A_1105] : memref<4x128xi32, #tpu.memory_space<vmem>> -> memref<1x128xi32, #tpu.memory_space<vmem>>
    %dma_wait3A_1107 = tpu.memref_squeeze %dma_wait3A_1106 : memref<1x128xi32, #tpu.memory_space<vmem>> -> memref<128xi32, #tpu.memory_space<vmem>>
    %dma_wait3A_1108 = arith.constant 0 : i32
    %dma_wait3A_1109 = arith.constant 0 : i32
    %dma_wait3A_1110 = tpu.memref_slice %arg6[%dma_wait3A_1108, %dma_wait3A_1109] : memref<32768x32xf32, #tpu.memory_space<hbm>> -> memref<32768x32xf32, #tpu.memory_space<hbm>>
    tpu.wait_indirect_dma semaphore(%arg13 : memref<!tpu.dma_semaphore, #tpu.memory_space<semaphore_mem>>) src(%dma_wait3A_1104 : memref<128x32xf32, #tpu.memory_space<vmem>>) dst(%dma_wait3A_1110 : memref<32768x32xf32, #tpu.memory_space<hbm>>)
    return
  }
}

</mosaic_0001>

<sc_bundles>
// kernel: kernel.3.cloned.1.call-start
scs
__scs_entry_jumppad:
0x0: {  	(pc) =	sbr.rel $0x88, $3  }
0x1: {  	(tag) =	ssettag $0x0;
	lr =	simm.s32 $0x1  }
0x2: {  	[smem:$0x3F9D] =	sst lr;
	_ =	strace $0xD0000000  }
0x3: {  	_ = 	snop  }
0x4: {  	_ = 	snop  }
0x5: {  	_ = 	snop  }
0x6: {  	_ = 	snop  }
0x7: {  	_ = 	snop  }
__scs_overlays_trampoline_lowered:
0x8: {  	[smem:$0x3FAC] =	sst s0  }
0x9: {  	[smem:$0x3FAD] =	sst s1  }
0xa: {  	[smem:$0x3FAE] =	sst s2  }
0xb: {  	[smem:$0x3FAF] =	sst s3  }
0xc: {  	[smem:$0x3FB0] =	sst s4  }
0xd: {  	[smem:$0x3FB1] =	sst s5  }
0xe: {  	[smem:$0x3FB2] =	sst s6  }
0xf: {  	[smem:$0x3FB3] =	sst s7  }
0x10: {  	[smem:$0x3FB4] =	sst s8  }
0x11: {  	[smem:$0x3FB5] =	sst s9;
	s0 =	simm.s32 @!p0 $0x0  }
0x12: {  	s1 =	sld [smem:$0x3F9B];
	s0 =	simm.s32 @p0 $0x1  }
0x13: {  	[smem:$0x3FB6] =	sst s0;
	s0 =	simm.s32 @!p1 $0x0  }
0x14: {  	s2 =	sld [smem:$0x3F9A];
	s0 =	simm.s32 @p1 $0x1  }
0x15: {  	[smem:$0x3FB7] =	sst s0;
	s0 =	simm.s32 @!p2 $0x0  }
0x16: {  	s3 =	sld [smem:$0x3FDB];
	s0 =	simm.s32 @p2 $0x1  }
0x17: {  	s4 =	simm.s32 $0x1BF5;
	[smem:$0x3FB9] =	sst s0  }
0x18: {  	s0 =	sld [smem:$0x3F9C];
	_ =	swait.ge [sflag:s4], $0x0  }
0x19: {  	s7 =	sld [smem:$0x3F9D]  }
0x1a: {  	s8 =	sadd.s32 $0xFFFFE003, lr  }
0x1b: {  	s9 =	sadd.s32 $0xFFFFFEF7, lr;
	s5 =	simm.s32 $0xFFFFFFFF;
	p2 =	slt.u32 s8, $0xFFFFF086  }
0x1c: {  	p1 =	slt.u32 s9, $0xF7A;
	s5 =	simm.s32 @!p2 $0x0  }
0x1d: {  	s5 =	simm.s32 @p1 $0x1;
	p0 =	seq.s32 s7, s2  }
0x1e: {  	s7 =	smul.u32 @!p0 $0xF7A, s2;
	p2 =	seq.s32 @!p0 s5, $0x0  }
0x1f: {  	s9 =	smul.u32 $0xF7A, s1;
	s8 =	simm.s32 @!p0 $0x1BF5;
	p2 =	por !p2, p0  }
0x20: {  	[sflag:s8] =	ssyncset.s32 @!p0 $0xFFFFF086;
	s6 =	sadd.s32 @!p0 s3, s7;
	s7 =	simm.s32 @!p0 $0x108  }
0x21: {  	s3 =	sadd.s32 s3, s9;
	s6 =	sadd.s32 @!p0 $0x88, s6;
	s7 =	simm.s32 @p2 $0x1082  }
0x22: {  	[simem:s7], [sflag:s8] =	dma.local @!p0 [hbm:s6], $0xF7A  }
0x23: {  	s9 =	sor.u32 $0xD0000000, s2;
	s6 =	simm.s32 $0x108;
	_ =	swait.ge @!p0 [sflag:s8], $0x0  }
0x24: {  	s3 =	sadd.s32 $0x88, s3;
	s6 =	simm.s32 @!p1 $0x1082;
	[sflag:s4] =	ssyncset.s32 $0xFFFFF086  }
0x25: {  	[simem:s6], [sflag:s4] =	dma.local [hbm:s3], $0xF7A  }
0x26: {  	[smem:$0x3F9D] =	sst s1;
	(tag) =	ssettag s2;
	_ =	strace s9  }
0x27: {  	s1 =	sld [smem:$0x3FAD]  }
0x28: {  	s2 =	sld [smem:$0x3FAE]  }
0x29: {  	s4 =	sld [smem:$0x3FB0]  }
0x2a: {  	p0 =	seq.s32 s5, $0x0;
	s5 =	sld [smem:$0x3FB1]  }
0x2b: {  	s6 =	sld [smem:$0x3FB2]  }
0x2c: {  	s7 =	sld [smem:$0x3FB3]  }
0x2d: {  	s3 =	simm.s32 $0x108;
	s8 =	sld [smem:$0x3FB4]  }
0x2e: {  	s3 =	simm.s32 @!p0 $0x1082;
	s9 =	sld [smem:$0x3FB5]  }
0x2f: {  	lr =	sadd.s32 s0, s3;
	s0 =	sld [smem:$0x3FAC]  }
0x30: {  	s3 =	sld [smem:$0x3FAF]  }
0x31: {  	[smem:$0x3FB8] =	sst s10  }
0x32: {  	s10 =	sld [smem:$0x3FB6];
	_ =	sdelay $0x3  }
0x33: {  	p0 =	seq.s32 s10, $0x1;
	s10 =	sld [smem:$0x3FB8];
	_ =	sdelay $0x3  }
0x34: {  	[smem:$0x3FB8] =	sst s10  }
0x35: {  	s10 =	sld [smem:$0x3FB7];
	_ =	sdelay $0x3  }
0x36: {  	p1 =	seq.s32 s10, $0x1;
	s10 =	sld [smem:$0x3FB8];
	_ =	sdelay $0x3  }
0x37: {  	[smem:$0x3FB8] =	sst s10  }
0x38: {  	s10 =	sld [smem:$0x3FB9]  }
0x39: {  	_ = 	snop;
	(pc) =	sbr.ind lr, $3  }
0x3a: {  	_ = 	snop  }
0x3b: {  	_ = 	snop  }
0x3c: {  	p2 =	seq.s32 s10, $0x1;
	s10 =	sld [smem:$0x3FB8]  }
0x3d: {  	_ =	shalt  }
0x3e: {  	_ =	shalt  }
0x3f: {  	_ =	shalt  }
0x40: {  	_ =	shalt  }
0x41: {  	_ =	shalt  }
0x42: {  	_ =	shalt  }
0x43: {  	_ =	shalt  }
0x44: {  	_ =	shalt  }
0x45: {  	_ =	shalt  }
0x46: {  	_ =	shalt  }
0x47: {  	_ =	shalt  }
0x48: {  	_ =	shalt  }
0x49: {  	_ =	shalt  }
0x4a: {  	_ =	shalt  }
0x4b: {  	_ =	shalt  }
0x4c: {  	_ =	shalt  }
0x4d: {  	_ =	shalt  }
0x4e: {  	_ =	shalt  }
0x4f: {  	_ =	shalt  }
0x50: {  	_ =	shalt  }
0x51: {  	_ =	shalt  }
0x52: {  	_ =	shalt  }
0x53: {  	_ =	shalt  }
0x54: {  	_ =	shalt  }
0x55: {  	_ =	shalt  }
0x56: {  	_ =	shalt  }
0x57: {  	_ =	shalt  }
0x58: {  	_ =	shalt  }
0x59: {  	_ =	shalt  }
0x5a: {  	_ =	shalt  }
0x5b: {  	_ =	shalt  }
0x5c: {  	_ =	shalt  }
0x5d: {  	_ =	shalt  }
0x5e: {  	_ =	shalt  }
0x5f: {  	_ =	shalt  }
0x60: {  	_ =	shalt  }
0x61: {  	_ =	shalt  }
0x62: {  	_ =	shalt  }
0x63: {  	_ =	shalt  }
0x64: {  	_ =	shalt  }
0x65: {  	_ =	shalt  }
0x66: {  	_ =	shalt  }
0x67: {  	_ =	shalt  }
0x68: {  	_ =	shalt  }
0x69: {  	_ =	shalt  }
0x6a: {  	_ =	shalt  }
0x6b: {  	_ =	shalt  }
0x6c: {  	_ =	shalt  }
0x6d: {  	_ =	shalt  }
0x6e: {  	_ =	shalt  }
0x6f: {  	_ =	shalt  }
0x70: {  	_ =	shalt  }
0x71: {  	_ =	shalt  }
0x72: {  	_ =	shalt  }
0x73: {  	_ =	shalt  }
0x74: {  	_ =	shalt  }
0x75: {  	_ =	shalt  }
0x76: {  	_ =	shalt  }
0x77: {  	_ =	shalt  }
0x78: {  	_ =	shalt  }
0x79: {  	_ =	shalt  }
0x7a: {  	_ =	shalt  }
0x7b: {  	_ =	shalt  }
0x7c: {  	_ =	shalt  }
0x7d: {  	_ =	shalt  }
0x7e: {  	_ =	shalt  }
0x7f: {  	_ =	shalt  }
0x80: {  	_ =	shalt  }
0x81: {  	_ =	shalt  }
0x82: {  	_ =	shalt  }
0x83: {  	_ =	shalt  }
0x84: {  	_ =	shalt  }
0x85: {  	_ =	shalt  }
0x86: {  	_ =	shalt  }
0x87: {  	_ =	shalt  }
.Lfunc_end0:
.L_simem_size_0:
called_computation_lowered:
.L_overlay_start_0:
0x88: {  	s2 =	sld [smem:$0x3FD9]  }
0x89: {  	s3 =	sld [smem:$0x3FFE];
	_ =	sdelay $0x1  }
0x8a: {  	s1 =	srdreg.scid  }
0x8b: {  	s0 =	sand.u32 $0x1, s1  }
0x8c: {  	s17 =	sshll.u32 s0, $0xA;
	s2 =	sadd.s32 s3, s2  }
0x8d: {  	s2 =	sadd.s32 s2, s17  }
0x8e: {  	[smem:$0x3FC4] =	sst s2  }
0x8f: {  	_ = 	snop  }
0x90: {  	s2 =	sld [smem:$0x3FC9]  }
0x91: {  	s18 =	sld [smem:$0x3FC8]  }
0x92: {  	s4 =	sld [smem:$0x3FD0];
	(tm) =	ssettm $0x1  }
0x93: {  	s5 =	sld [smem:$0x3FFB];
	_ =	sdelay $0x3  }
0x94: {  	_ =	strace s5  }
0x95: {  	s5 =	sld [smem:$0x3FFC];
	_ =	sdelay $0x3  }
0x96: {  	_ =	strace s5  }
0x97: {  	s5 =	sld [smem:$0x3FFD];
	_ =	sdelay $0x3  }
0x98: {  	_ =	strace s5  }
0x99: {  	_ =	strace $0x8FFFFFFF  }
0x9a: {  	s19 =	sld [smem:$0x3FDB];
	_ =	sdelay $0x1  }
0x9b: {  	s6 =	simm.s32 $_scs_section_size  }
0x9c: {  	s7 =	simm.s32 $_size__tile_overlayer_lowered;
	s8 =	simm.s32 $_tile_overlayer_lowered  }
0x9d: {  	s22 =	simm.s32 $0x1BFF;
	s21 =	sshll.u32 s8, $0x1;
	s5 =	sadd.s32 s6, s19  }
0x9e: {  	s9 =	simm.s32 $0x0;
	s20 =	sshll.u32 s7, $0x1;
	s7 =	sadd.s32 s21, s5  }
0x9f: {  	[timem:s9], [sflag:s22] =	dma.local [hbm:s7], s20  }
0xa0: {  	_ =	swait.ge [sflag:s22], s20  }
0xa1: {  	s6 =	ssub.s32 $0x0, s20;
	[sflag:s22] =	ssyncset.done $0x0  }
0xa2: {  	[sflag:s22] =	ssyncadd.s32 s6;
	_ =	sdelay $0x1  }
0xa3: {  	s23 =	simm.s32 $0x1B8B  }
0xa4: {  	_ =	swait.ge [sflag:s23], $0x1  }
0xa5: {  	[sflag:s23] =	ssyncset.done $0x0  }
0xa6: {  	s25 =	simm.s32 $0x1B8E;
	s24 =	sld [smem:$0x3FFE];
	[sflag:s23] =	ssyncadd.s32 $0xFFFFFFFF  }
0xa7: {  	s26 =	simm.s32 $execute0_lowered;
	[smem:$0x3FD2] =	sst s25  }
0xa8: {  	s7 =	sshll.u32 s26, $0x1;
	_ =	strace $0x80000046;
	[dreg:$0x1] =	wrdreg $0xFFFFFFFF  }
0xa9: {  	s28 =	simm.s32 $_size_execute0_lowered;
	s5 =	sadd.s32 s5, s7;
	[dreg:$0x0] =	wrdreg $0x0  }
0xaa: {  	s7 =	sshll.u32 s28, $0x1;
	[dreg:$0x2] =	wrdreg s5  }
0xab: {  	[dreg:$0x3] =	wrdreg s7  }
0xac: {  	[dreg:$0x4] =	wrdreg $0xC0  }
0xad: {  	_ =	task [dreg:s9], $0x5FFFF  }
0xae: {  	[dreg:$0x1] =	wrdreg $0xFFFFFFFF  }
0xaf: {  	[dreg:$0x0] =	wrdreg $0x60  }
0xb0: {  	[dreg:$0x2] =	wrdreg s2  }
0xb1: {  	[dreg:$0x3] =	wrdreg s18  }
0xb2: {  	[dreg:$0x4] =	wrdreg s24  }
0xb3: {  	[dreg:$0x5] =	wrdreg s4  }
0xb4: {  	[dreg:$0x6] =	wrdreg $0x9  }
0xb5: {  	_ =	task.clear_ibuf [dreg:s9], $0x7FFFF;
	_ =	strace $0x90000046  }
0xb6: {  	s29 =	simm.s32 $0x9;
	_ =	strace $0x80000048  }
0xb7: {  	_ =	swait.ge [sflag:s29], $0x1  }
0xb8: {  	[sflag:s29] =	ssyncadd.s32 $0xFFFFFFFF  }
0xb9: {  	_ =	strace $0x90000048  }
0xba: {  	_ =	sfence  }
0xbb: {  	s30 =	sld [smem:$0x0];
	_ =	sdelay $0x2  }
0xbc: {  	s31 =	sshll.u32 s1, $0xD;
	s1 =	sshrl.u32 s1, $0x2  }
0xbd: {  	s3 =	sand.u32 $0x4000, s31;
	s1 =	sadd.s32 s1, s30  }
0xbe: {  	s0 =	sor.u32 s3, s0;
	s1 =	sshll.u32 s1, $0x11  }
0xbf: {  	s0 =	sor.u32 s1, s0  }
0xc0: {  	s0 =	sadd.s32 $0x8F2B, s0  }
0xc1: {  	[sflag:s0] =	ssyncadd.remote.s32 $0x1  }
0xc2: {  	_ =	sfence.sel $0xFFFF  }
0xc3: {  	[dreg:$0x0] =	wrdreg $0xFFFFFFFF;
	(pc) =	sbr.abs _section_cstart, $3  }
0xc4: {  	[dreg:$0x1] =	wrdreg $0xFFFFFFFF  }
0xc5: {  	_ =	task.clear_ibuf [dreg:s9], $0x2FFFF;
	_ =	strace $0x9FFFFFFF  }
0xc6: {  	(tm) =	ssettm $0x7FFFFFFF  }
0xc7: {  	_ =	shalt  }
tec
execute0_lowered:
.L_overlay_start_1:
0x0: {  	(tag) =	ssettag $0x1  }
0x1: {  	s6 =	rddreg [dreg:$0x0]  }
0x2: {  	s8 =	rddreg [dreg:$0x1]  }
0x3: {  	s0 =	rddreg [dreg:$0x2]  }
0x4: {  	s1 =	rddreg [dreg:$0x3];
	s3 =	simm.s32 $0x0;
	s4 =	srdreg.scid  }
0x5: {  	s2 =	stileid.u32;
	[smem:$0x7FF] =	sst s3  }
0x6: {  	s5 =	sand.u32 $0x1, s4;
	s7 =	sshll.u32 s2, $0x1;
	s4 =	sadd.s32 $0xF42A00, s0  }
0x7: {  	_ =	strace $0x80000047;
	s9 =	ssub.s32 $0x2, s5;
	s7 =	sor.u32 s5, s7  }
0x8: {  	s5 =	sadd.s32 $0x187000, s0;
	s2 =	sshrl.u32 s9, $0x1;
	s10 =	sshll.u32 s7, $0x6  }
0x9: {  	s7 =	sshll.u32 s7, $0xA;
	s0 =	ssub.s32 s9, s2;
	s6 =	sadd.s32 s6, s10  }
0xa: {  	s9 =	sor.u32 $0x1, s7;
	s11 =	sor.u32 $0x40, s7;
	s12 =	sor.u32 $0x41, s7  }
0xb: {  	s13 =	sor.u32 $0x60, s7;
	s14 =	sor.u32 $0x61, s7;
	s15 =	sor.u32 $0x80, s7  }
0xc: {  	s16 =	sor.u32 $0x81, s7;
	s17 =	sor.u32 $0xA0, s7;
	s18 =	sor.u32 $0xA1, s7  }
0xd: {  	s19 =	sor.u32 $0xC0, s7;
	s20 =	sor.u32 $0xC1, s7;
	s21 =	sor.u32 $0xE0, s7  }
0xe: {  	s22 =	sor.u32 $0xE1, s7;
	s23 =	sor.u32 $0x100, s7;
	s24 =	sor.u32 $0x101, s7  }
0xf: {  	s25 =	sor.u32 $0x120, s7;
	s26 =	sor.u32 $0x121, s7;
	s28 =	sor.u32 $0x140, s7  }
0x10: {  	v0 =	vlaneseq.u32;
	s29 =	sor.u32 $0x141, s7;
	s30 =	sor.u32 $0x160, s7;
	[dreg:$0x6] =	wrdreg s0  }
0x11: {  	v63 =	vmul.u32 $0x2, v0;
	s31 =	sor.u32 $0x180, s7;
	s2 =	sor.u32 $0x181, s7;
	[dreg:$0x5] =	wrdreg s6  }
0x12: {  	s6 =	sadd.s32 s8, s10;
	s10 =	sor.u32 $0x20, s7;
	s0 =	sor.u32 $0x21, s7  }
0x13: {  	v0 =	vor.u32 s9, v63;
	s8 =	sor.u32 $0x161, s7;
	s9 =	sor.u32 $0x1A0, s7;
	v15 =	vor.u32 s23, v63;
	s23 =	sor.u32 $0x280, s7  }
0x14: {  	v3 =	vor.u32 s11, v63;
	s11 =	sor.u32 $0x1C0, s7;
	v18 =	vor.u32 s26, v63;
	s26 =	sor.u32 $0x2E0, s7;
	[dreg:$0x7] =	wrdreg s23  }
0x15: {  	v4 =	vor.u32 s12, v63;
	s12 =	sor.u32 $0x1C1, s7;
	v9 =	vor.u32 s17, v63;
	s17 =	sor.u32 $0x220, s7;
	[dreg:$0x9] =	wrdreg s26  }
0x16: {  	v5 =	vor.u32 s13, v63;
	s13 =	sor.u32 $0x1E0, s7;
	s23 =	sor.u32 $0x2A1, s7;
	v33 =	vor.u32 s17, v63;
	s17 =	rddreg [dreg:$0x6]  }
0x17: {  	v6 =	vor.u32 s14, v63;
	s14 =	sor.u32 $0x1E1, s7;
	s26 =	sor.u32 $0x340, s7;
	[dreg:$0x8] =	wrdreg s23  }
0x18: {  	v7 =	vor.u32 s15, v63;
	s15 =	sor.u32 $0x200, s7;
	v25 =	vor.u32 s9, v63;
	s9 =	sor.u32 $0x361, s7;
	[dreg:$0xb] =	wrdreg s26  }
0x19: {  	v8 =	vor.u32 s16, v63;
	s16 =	sor.u32 $0x201, s7;
	v27 =	vor.u32 s11, v63;
	s11 =	sor.u32 $0x381, s7;
	[dreg:$0xc] =	wrdreg s9  }
0x1a: {  	v10 =	vor.u32 s18, v63;
	s18 =	sor.u32 $0x221, s7;
	v28 =	vor.u32 s12, v63;
	s12 =	sor.u32 $0x3A0, s7;
	[dreg:$0x10] =	wrdreg s11  }
0x1b: {  	v11 =	vor.u32 s19, v63;
	s19 =	sor.u32 $0x240, s7;
	v29 =	vor.u32 s13, v63;
	s13 =	sor.u32 $0x3A1, s7;
	[dreg:$0xd] =	wrdreg s12  }
0x1c: {  	v12 =	vor.u32 s20, v63;
	s20 =	sor.u32 $0x241, s7;
	v30 =	vor.u32 s14, v63;
	s14 =	sor.u32 $0x3C0, s7;
	[dreg:$0x11] =	wrdreg s13  }
0x1d: {  	v13 =	vor.u32 s21, v63;
	s21 =	sor.u32 $0x260, s7;
	v31 =	vor.u32 s15, v63;
	s15 =	sor.u32 $0x3C1, s7;
	[dreg:$0x12] =	wrdreg s14  }
0x1e: {  	v14 =	vor.u32 s22, v63;
	s22 =	sor.u32 $0x261, s7;
	v32 =	vor.u32 s16, v63;
	s16 =	sor.u32 $0x3E0, s7;
	[dreg:$0xe] =	wrdreg s15  }
0x1f: {  	v16 =	vor.u32 s24, v63;
	v17 =	vor.u32 s25, v63;
	s24 =	sor.u32 $0x281, s7;
	s25 =	sor.u32 $0x2A0, s7;
	[dreg:$0x13] =	wrdreg s16  }
0x20: {  	v19 =	vor.u32 s28, v63;
	v20 =	vor.u32 s29, v63;
	s28 =	sor.u32 $0x2C0, s7;
	s29 =	sor.u32 $0x2C1, s7;
	v34 =	vor.u32 s18, v63;
	s18 =	rddreg [dreg:$0x7]  }
0x21: {  	v1 =	vor.u32 s10, v63;
	s10 =	sor.u32 $0x1A1, s7;
	v36 =	vor.u32 s20, v63;
	s23 =	sor.u32 $0x301, s7;
	s20 =	rddreg [dreg:$0x9]  }
0x22: {  	v24 =	vor.u32 s2, v63;
	s2 =	sor.u32 $0x2E1, s7;
	v26 =	vor.u32 s10, v63;
	s10 =	sor.u32 $0x380, s7;
	[dreg:$0xa] =	wrdreg s23  }
0x23: {  	v21 =	vor.u32 s30, v63;
	v23 =	vor.u32 s31, v63;
	s31 =	sor.u32 $0x300, s7;
	s30 =	sor.u32 $0x360, s7;
	[dreg:$0xf] =	wrdreg s10  }
0x24: {  	v2 =	vor.u32 s0, v63;
	v22 =	vor.u32 s8, v63;
	s0 =	sor.u32 $0x320, s7;
	v35 =	vor.u32 s19, v63;
	s8 =	simm.s32 $0x200;
	s19 =	rddreg [dreg:$0x8]  }
0x25: {  	v38 =	vor.u32 s22, v63;
	v44 =	vor.u32 s28, v63;
	v45 =	vor.u32 s29, v63;
	s28 =	simm.s32 $0x680;
	s29 =	simm.s32 $0x500;
	s22 =	rddreg [dreg:$0xb]  }
0x26: {  	v42 =	vor.u32 s25, v63;
	v54 =	vor.u32 s30, v63;
	s30 =	simm.s32 $0x700;
	s26 =	sor.u32 $0x341, s7;
	s25 =	rddreg [dreg:$0x10]  }
0x27: {  	v48 =	vor.u32 s31, v63;
	s31 =	simm.s32 $0x580;
	s9 =	simm.s32 $0x1;
	v53 =	vor.u32 s26, v63;
	s26 =	rddreg [dreg:$0xd]  }
0x28: {  	v39 =	vor.u32 s7, v63;
	v47 =	vor.u32 s2, v63;
	s23 =	sor.u32 $0x321, s7;
	s7 =	sor.u32 $0x3E1, s7;
	s2 =	rddreg [dreg:$0x11]  }
0x29: {  	s11 =	simm.s32 $0x800;
	s12 =	simm.s32 $0x4800;
	[dreg:$0x14] =	wrdreg s7  }
0x2a: {  	v37 =	vor.u32 s21, v63;
	s13 =	simm.s32 $0x1800;
	s14 =	simm.s32 $0x280;
	s21 =	rddreg [dreg:$0xa]  }
0x2b: {  	s15 =	simm.s32 $0x5800;
	s16 =	simm.s32 $0x100;
	v51 =	vor.u32 s23, v63;
	s23 =	rddreg [dreg:$0xc]  }
0x2c: {  	v41 =	vor.u32 s24, v63;
	v50 =	vor.u32 s0, v63;
	s0 =	simm.s32 $0x780;
	s10 =	simm.s32 $0x80;
	s24 =	rddreg [dreg:$0xf]  }
0x2d: {  	v40 =	vor.u32 s18, v63;
	v46 =	vor.u32 s20, v63;
	s18 =	simm.s32 $0x300;
	s20 =	simm.s32 $0x180;
	v58 =	vor.u32 s26, v63;
	s26 =	rddreg [dreg:$0x12]  }
0x2e: {  	s7 =	smax.u32 s17, $0x1;
	v43 =	vor.u32 s19, v63;
	s17 =	simm.s32 $0x2800;
	v59 =	vor.u32 s2, v63;
	s2 =	rddreg [dreg:$0xe]  }
0x2f: {  	s19 =	simm.s32 $0x6800;
	v52 =	vor.u32 s22, v63;
	s22 =	simm.s32 $0x380;
	v57 =	vor.u32 s25, v63;
	v61 =	vor.u32 s2, v63;
	s2 =	rddreg [dreg:$0x13]  }
0x30: {  	s25 =	simm.s32 $0x600;
	v49 =	vor.u32 s21, v63;
	s21 =	simm.s32 $0x3800;
	v55 =	vor.u32 s23, v63;
	v62 =	vor.u32 s2, v63;
	s2 =	rddreg [dreg:$0x14]  }
0x31: {  	v56 =	vor.u32 s24, v63;
	s23 =	simm.s32 $0x7800;
	s24 =	simm.s32 $0x400;
	v60 =	vor.u32 s26, v63;
	s26 =	simm.s32 $0x480;
	v63 =	vor.u32 s2, v63  }
.LBB2_1:
0x32: {  	s2 =	rddreg [dreg:$0x5]  }
0x33: {  	[tilespmem:s3], [sflag:$0x1] =	stream.linear.gather [hbm4b:s2+s3], $0x200, $0x38;
	[tilespmem:$0x8800] =	vst v63  }
0x34: {  	_ = 	snop  }
0x35: {  	[tilespmem:s8], [sflag:$0x1] =	stream.linear.gather [hbm4b:s6+s3], $0x200, $0x38;
	[tilespmem:$0x8800] =	vst v63  }
0x36: {  	[tilespmem:$0x400] =	vst v39  }
0x37: {  	[tilespmem:$0x600] =	vst v0  }
0x38: {  	[tilespmem:$0x410] =	vst v1  }
0x39: {  	[tilespmem:$0x610] =	vst v2  }
0x3a: {  	[tilespmem:$0x420] =	vst v3  }
0x3b: {  	[tilespmem:$0x620] =	vst v4  }
0x3c: {  	[tilespmem:$0x430] =	vst v5  }
0x3d: {  	[tilespmem:$0x630] =	vst v6  }
0x3e: {  	[tilespmem:$0x440] =	vst v7  }
0x3f: {  	[tilespmem:$0x640] =	vst v8  }
0x40: {  	[tilespmem:$0x450] =	vst v9  }
0x41: {  	[tilespmem:$0x650] =	vst v10  }
0x42: {  	[tilespmem:$0x460] =	vst v11  }
0x43: {  	[tilespmem:$0x660] =	vst v12  }
0x44: {  	[tilespmem:$0x470] =	vst v13  }
0x45: {  	[tilespmem:$0x670] =	vst v14  }
0x46: {  	[tilespmem:$0x480] =	vst v15  }
0x47: {  	[tilespmem:$0x680] =	vst v16  }
0x48: {  	[tilespmem:$0x490] =	vst v17  }
0x49: {  	[tilespmem:$0x690] =	vst v18  }
0x4a: {  	[tilespmem:$0x4A0] =	vst v19  }
0x4b: {  	[tilespmem:$0x6A0] =	vst v20  }
0x4c: {  	[tilespmem:$0x4B0] =	vst v21  }
0x4d: {  	[tilespmem:$0x6B0] =	vst v22  }
0x4e: {  	[tilespmem:$0x4C0] =	vst v23  }
0x4f: {  	[tilespmem:$0x6C0] =	vst v24  }
0x50: {  	[tilespmem:$0x4D0] =	vst v25  }
0x51: {  	[tilespmem:$0x6D0] =	vst v26  }
0x52: {  	[tilespmem:$0x4E0] =	vst v27  }
0x53: {  	[tilespmem:$0x6E0] =	vst v28  }
0x54: {  	[tilespmem:$0x4F0] =	vst v29  }
0x55: {  	[tilespmem:$0x6F0] =	vst v30  }
0x56: {  	[tilespmem:$0x500] =	vst v31  }
0x57: {  	[tilespmem:$0x700] =	vst v32  }
0x58: {  	[tilespmem:$0x510] =	vst v33  }
0x59: {  	[tilespmem:$0x710] =	vst v34  }
0x5a: {  	[tilespmem:$0x520] =	vst v35  }
0x5b: {  	[tilespmem:$0x720] =	vst v36  }
0x5c: {  	[tilespmem:$0x530] =	vst v37  }
0x5d: {  	[tilespmem:$0x730] =	vst v38  }
0x5e: {  	[tilespmem:$0x540] =	vst v40  }
0x5f: {  	[tilespmem:$0x740] =	vst v41  }
0x60: {  	[tilespmem:$0x550] =	vst v42  }
0x61: {  	[tilespmem:$0x750] =	vst v43  }
0x62: {  	[tilespmem:$0x560] =	vst v44  }
0x63: {  	[tilespmem:$0x760] =	vst v45  }
0x64: {  	[tilespmem:$0x570] =	vst v46  }
0x65: {  	[tilespmem:$0x770] =	vst v47  }
0x66: {  	[tilespmem:$0x580] =	vst v48  }
0x67: {  	[tilespmem:$0x780] =	vst v49  }
0x68: {  	[tilespmem:$0x590] =	vst v50  }
0x69: {  	[tilespmem:$0x790] =	vst v51  }
0x6a: {  	[tilespmem:$0x5A0] =	vst v52  }
0x6b: {  	[tilespmem:$0x7A0] =	vst v53  }
0x6c: {  	[tilespmem:$0x5B0] =	vst v54  }
0x6d: {  	[tilespmem:$0x7B0] =	vst v55  }
0x6e: {  	[tilespmem:$0x5C0] =	vst v56  }
0x6f: {  	[tilespmem:$0x7C0] =	vst v57  }
0x70: {  	[tilespmem:$0x5D0] =	vst v58  }
0x71: {  	[tilespmem:$0x7D0] =	vst v59  }
0x72: {  	[tilespmem:$0x5E0] =	vst v60  }
0x73: {  	[tilespmem:$0x7E0] =	vst v61  }
0x74: {  	[tilespmem:$0x5F0] =	vst v62  }
0x75: {  	[tilespmem:$0x7F0] =	vst v63  }
0x76: {  	_ =	swait.ge [sflag:s9], $0x200  }
0x77: {  	[sflag:s9] =	ssyncset.done $0x0  }
0x78: {  	[sflag:s9] =	ssyncadd.s32 $0xFFFFFE00  }
0x79: {  	_ =	swait.ge [sflag:s9], $0x200  }
0x7a: {  	[sflag:s9] =	ssyncset.done $0x0  }
0x7b: {  	[sflag:s9] =	ssyncadd.s32 $0xFFFFFE00  }
0x7c: {  	[tilespmem:s11], [sflag:$0x1] =	stream.indirect.gather [hbm4b:s4+s10], $0x20, s3, s10, $0xb8;
	[tilespmem:$0x8800] =	vst v63  }
0x7d: {  	_ = 	snop  }
0x7e: {  	[tilespmem:s12], [sflag:$0x1] =	stream.indirect.gather [hbm4b:s5+s10], $0x20, s8, s10, $0xb8;
	[tilespmem:$0x8800] =	vst v63  }
0x7f: {  	_ = 	snop  }
0x80: {  	[tilespmem:s13], [sflag:$0x1] =	stream.indirect.gather [hbm4b:s4+s10], $0x20, s10, s10, $0xb8;
	[tilespmem:$0x8800] =	vst v63  }
0x81: {  	_ = 	snop  }
0x82: {  	[tilespmem:s15], [sflag:$0x1] =	stream.indirect.gather [hbm4b:s5+s10], $0x20, s14, s10, $0xb8;
	[tilespmem:$0x8800] =	vst v63  }
0x83: {  	_ = 	snop  }
0x84: {  	[tilespmem:s17], [sflag:$0x1] =	stream.indirect.gather [hbm4b:s4+s10], $0x20, s16, s10, $0xb8;
	[tilespmem:$0x8800] =	vst v63  }
0x85: {  	_ = 	snop  }
0x86: {  	[tilespmem:s19], [sflag:$0x1] =	stream.indirect.gather [hbm4b:s5+s10], $0x20, s18, s10, $0xb8;
	[tilespmem:$0x8800] =	vst v63  }
0x87: {  	_ = 	snop  }
0x88: {  	[tilespmem:s21], [sflag:$0x1] =	stream.indirect.gather [hbm4b:s4+s10], $0x20, s20, s10, $0xb8;
	[tilespmem:$0x8800] =	vst v63  }
0x89: {  	_ = 	snop  }
0x8a: {  	[tilespmem:s23], [sflag:$0x1] =	stream.indirect.gather [hbm4b:s5+s10], $0x20, s22, s10, $0xb8;
	[tilespmem:$0x8800] =	vst v63  }
0x8b: {  	_ =	swait.ge [sflag:s9], $0x1000  }
0x8c: {  	[sflag:s9] =	ssyncset.done $0x0  }
0x8d: {  	[sflag:s9] =	ssyncadd.s32 $0xFFFFF000  }
0x8e: {  	_ =	swait.ge [sflag:s9], $0x1000  }
0x8f: {  	[sflag:s9] =	ssyncset.done $0x0  }
0x90: {  	[sflag:s9] =	ssyncadd.s32 $0xFFFFF000  }
0x91: {  	_ =	swait.ge [sflag:s9], $0x1000  }
0x92: {  	[sflag:s9] =	ssyncset.done $0x0  }
0x93: {  	[sflag:s9] =	ssyncadd.s32 $0xFFFFF000  }
0x94: {  	_ =	swait.ge [sflag:s9], $0x1000  }
0x95: {  	[sflag:s9] =	ssyncset.done $0x0  }
0x96: {  	[sflag:s9] =	ssyncadd.s32 $0xFFFFF000  }
0x97: {  	_ =	swait.ge [sflag:s9], $0x1000  }
0x98: {  	[sflag:s9] =	ssyncset.done $0x0  }
0x99: {  	[sflag:s9] =	ssyncadd.s32 $0xFFFFF000  }
0x9a: {  	_ =	swait.ge [sflag:s9], $0x1000  }
0x9b: {  	[sflag:s9] =	ssyncset.done $0x0  }
0x9c: {  	[sflag:s9] =	ssyncadd.s32 $0xFFFFF000  }
0x9d: {  	_ =	swait.ge [sflag:s9], $0x1000  }
0x9e: {  	[sflag:s9] =	ssyncset.done $0x0  }
0x9f: {  	[sflag:s9] =	ssyncadd.s32 $0xFFFFF000  }
0xa0: {  	_ =	swait.ge [sflag:s9], $0x1000  }
0xa1: {  	[sflag:s9] =	ssyncset.done $0x0  }
0xa2: {  	[sflag:s9] =	ssyncadd.s32 $0xFFFFF000  }
0xa3: {  	[hbm4b:s1+s10] =	stream.indirect.scatter [tilespmem:s11], [sflag:$0x1], $0x20, s24, s10, $0xb8;
	[tilespmem:$0x8800] =	vst v63  }
0xa4: {  	_ = 	snop  }
0xa5: {  	[hbm4b:s1+s10] =	stream.indirect.scatter [tilespmem:s12], [sflag:$0x1], $0x20, s25, s10, $0xb8;
	[tilespmem:$0x8800] =	vst v63  }
0xa6: {  	_ = 	snop  }
0xa7: {  	[hbm4b:s1+s10] =	stream.indirect.scatter [tilespmem:s13], [sflag:$0x1], $0x20, s26, s10, $0xb8;
	[tilespmem:$0x8800] =	vst v63  }
0xa8: {  	_ = 	snop  }
0xa9: {  	[hbm4b:s1+s10] =	stream.indirect.scatter [tilespmem:s15], [sflag:$0x1], $0x20, s28, s10, $0xb8;
	[tilespmem:$0x8800] =	vst v63  }
0xaa: {  	_ = 	snop  }
0xab: {  	[hbm4b:s1+s10] =	stream.indirect.scatter [tilespmem:s17], [sflag:$0x1], $0x20, s29, s10, $0xb8;
	[tilespmem:$0x8800] =	vst v63  }
0xac: {  	_ = 	snop  }
0xad: {  	[hbm4b:s1+s10] =	stream.indirect.scatter [tilespmem:s19], [sflag:$0x1], $0x20, s30, s10, $0xb8;
	[tilespmem:$0x8800] =	vst v63  }
0xae: {  	_ = 	snop  }
0xaf: {  	[hbm4b:s1+s10] =	stream.indirect.scatter [tilespmem:s21], [sflag:$0x1], $0x20, s31, s10, $0xb8;
	[tilespmem:$0x8800] =	vst v63  }
0xb0: {  	_ = 	snop  }
0xb1: {  	[hbm4b:s1+s10] =	stream.indirect.scatter [tilespmem:s23], [sflag:$0x1], $0x20, s0, s10, $0xb8;
	[tilespmem:$0x8800] =	vst v63  }
0xb2: {  	_ =	swait.ge [sflag:s9], $0x1000  }
0xb3: {  	[sflag:s9] =	ssyncset.done $0x0  }
0xb4: {  	[sflag:s9] =	ssyncadd.s32 $0xFFFFF000  }
0xb5: {  	_ =	swait.ge [sflag:s9], $0x1000  }
0xb6: {  	[sflag:s9] =	ssyncset.done $0x0  }
0xb7: {  	[sflag:s9] =	ssyncadd.s32 $0xFFFFF000  }
0xb8: {  	_ =	swait.ge [sflag:s9], $0x1000  }
0xb9: {  	[sflag:s9] =	ssyncset.done $0x0  }
0xba: {  	[sflag:s9] =	ssyncadd.s32 $0xFFFFF000  }
0xbb: {  	_ =	swait.ge [sflag:s9], $0x1000  }
0xbc: {  	[sflag:s9] =	ssyncset.done $0x0  }
0xbd: {  	[sflag:s9] =	ssyncadd.s32 $0xFFFFF000  }
0xbe: {  	_ =	swait.ge [sflag:s9], $0x1000  }
0xbf: {  	[sflag:s9] =	ssyncset.done $0x0  }
0xc0: {  	[sflag:s9] =	ssyncadd.s32 $0xFFFFF000  }
0xc1: {  	_ =	swait.ge [sflag:s9], $0x1000  }
0xc2: {  	[sflag:s9] =	ssyncset.done $0x0  }
0xc3: {  	[sflag:s9] =	ssyncadd.s32 $0xFFFFF000  }
0xc4: {  	p0 =	sne.s32 s7, $0x1;
	_ =	swait.ge [sflag:s9], $0x1000  }
.Ltmp0:
0xc5: {  	[sflag:s9] =	ssyncset.done $0x0;
	(pc) =	sbr.rel @p0 .LBB2_1-.Ltmp0, $4  }
0xc6: {  	[sflag:s9] =	ssyncadd.s32 $0xFFFFF000  }
0xc7: {  	_ =	swait.ge [sflag:s9], $0x1000  }
0xc8: {  	[sflag:s9] =	ssyncset.done $0x0  }
0xc9: {  	s7 =	sadd.s32 $0xFFFFFFFF, s7;
	[sflag:s9] =	ssyncadd.s32 $0xFFFFF000  }
0xca: {  	_ =	sfence.sel $0x180000  }
0xcb: {  	[bflag:$0x0] =	sbarrier.arrive $0xFFFF  }
0xcc: {  	_ =	strace $0x90000047  }
0xcd: {  	s0 =	stileid.u32;
	[bflag:$0x2] =	sbarrier.arrive $0xFFFF  }
0xce: {  	p0 =	sne.s32 s0, $0x0;
	s0 =	rddreg [dreg:$0x4]  }
0xcf: {  	s0 =	sadd.s32 @!p0 $0x100000, s0  }
0xd0: {  	[sflag:s0] =	ssyncadd.tile.s32 @!p0 $0x1;
	_ =	shalt  }
.Lfunc_end2:
_tile_overlayer_lowered:
.L_overlay_start_2:
0xd1: {  	(tag) =	ssettag $0x2  }
0xd2: {  	s0 =	rddreg [dreg:$0x0];
	s2 =	stileid.u32  }
0xd3: {  	s1 =	rddreg [dreg:$0x1];
	p0 =	sne.s32 s2, $0x0  }
0xd4: {  	s3 =	rddreg [dreg:$0x2];
	[bflag:$0x3] =	sbarrier.arrive $0xFFFF;
	s2 =	simm.s32 @!p0 $0x1C02  }
0xd5: {  	[timem:s3], [sflag:s2] =	dma.local @!p0 [hbm:s0], s1  }
0xd6: {  	s0 =	simm.s32 @!p0 $0x2  }
0xd7: {  	_ =	swait.ge @!p0 [sflag:s0], s1  }
0xd8: {  	s1 =	ssub.s32 @!p0 $0x0, s1;
	[sflag:s0] =	ssyncset.done @!p0 $0x0  }
0xd9: {  	[sflag:s0] =	ssyncadd.s32 @!p0 s1  }
0xda: {  	[bflag:$0x3] =	sbarrier.arrive $0xFFFF  }
0xdb: {  	_ =	shalt  }

</sc_bundles>
